<compile_context>
chip_gen: v7x
topology: tpu7x:2x2x1
jax: 0.10.2.dev20260603
libtpu: 0.0.44.dev20260713+nightly
codegen_flags: <defaults>
</compile_context>

<pallas_src>
import functools
import jax
import jax.numpy as jnp
from jax import lax
from jax.experimental import pallas as pl
from jax.experimental.pallas import tpu as pltpu
from jax.experimental.pallas import tpu_sc as plsc

S, D = 8192, 1024
NC, NS = 2, 16
NW = NC * NS
ROWS_W = S // NW
CH = 32
NB = 2
NCH_SUB = ROWS_W // CH // 2


def _stream(hbm_in, hbm_out, buf, in_sems, out_sems, base):
    def in_copy(g, b):
        return pltpu.make_async_copy(
            hbm_in.at[pl.ds(base + g * CH, CH)], buf.at[b], in_sems.at[b])

    def out_copy(g, b):
        return pltpu.make_async_copy(
            buf.at[b], hbm_out.at[pl.ds(base + g * CH, CH)], out_sems.at[b])

    return in_copy, out_copy


def _sc_body(w_hbm, o_hbm, buf_t, buf_s, ti_sems, to_sems, si_sems, so_sems):
    sid = lax.axis_index("s")
    wid = lax.axis_index("c") * NS + sid
    base_t = wid * ROWS_W
    base_s = base_t + NCH_SUB * CH

    t_in, t_out = _stream(w_hbm, o_hbm, buf_t, ti_sems, to_sems, base_t)
    s_in, s_out = _stream(w_hbm, o_hbm, buf_s.at[sid], si_sems, so_sems, base_s)

    for b in range(NB):
        t_in(b, b).start()
        s_in(b, b).start()
    for g in range(NCH_SUB):
        b = g % NB
        t_in(g, b).wait()
        t_out(g, b).start()
        s_in(g, b).wait()
        s_out(g, b).start()
        if g + NB < NCH_SUB:
            t_out(g, b).wait()
            t_in(g + NB, b).start()
            s_out(g, b).wait()
            s_in(g + NB, b).start()
    for g in range(NCH_SUB - NB, NCH_SUB):
        t_out(g, g % NB).wait()
        s_out(g, g % NB).wait()


@jax.jit
def kernel(x, emb_weight):
    del x
    mesh = plsc.VectorSubcoreMesh(core_axis_name="c", subcore_axis_name="s")
    f = functools.partial(
        pl.kernel,
        out_type=jax.ShapeDtypeStruct((S, D), jnp.float32),
        mesh=mesh,
        scratch_types=[
            pltpu.VMEM((NB, CH, D), jnp.float32),
            pltpu.VMEM_SHARED((NS, NB, CH, D), jnp.float32),
            pltpu.SemaphoreType.DMA((NB,)),
            pltpu.SemaphoreType.DMA((NB,)),
            pltpu.SemaphoreType.DMA((NB,)),
            pltpu.SemaphoreType.DMA((NB,)),
        ],
    )(_sc_body)
    return f(emb_weight)

# --- scband reference (transcript-rebuilt; emitter-appended) ---
"""Pipeline reference for scband-learned-position-embeddings-4389456577484 (READ-ONLY COPY).

The authoritative reference and input builder live on the scoring server;
editing this copy changes nothing except your own understanding.
"""

import jax, jax.numpy as jnp
import numpy as np

SEQ_LEN = 8192
MODEL_DIM = 1024

def setup_inputs(seed: int = 0) -> dict:
    key = jax.random.key(seed)
    k1, k2 = jax.random.split(key)
    x = jax.random.randint(k1, (4, 8192), 0, SEQ_LEN, dtype=jnp.int64) if jax.config.jax_enable_x64 else jax.random.randint(k1, (4, 8192), 0, SEQ_LEN, dtype=jnp.int32)
    emb_weight = jax.random.normal(k2, (SEQ_LEN, MODEL_DIM), dtype=jnp.float32) * 0.02
    return {"x": x, "emb_weight": emb_weight}

def reference(x, emb_weight):
    # forward: sl = x.shape[1]; return emb(arange(0, sl))
    sl = x.shape[1]
    idx = jnp.arange(0, sl)
    return jnp.take(emb_weight, idx, axis=0)

if __name__ == "__main__":
    import jax
    _d = setup_inputs()
    print(jax.jit(kernel)(*tuple(_d.values())))

</pallas_src>

<mosaic_0001>
#map = affine_map<(d0, d1) -> (0, 0)>
module attributes {stable_mosaic.version = 14 : i64} {
  func.func @_sc_body(%arg0: i32, %arg1: i32, %arg2: memref<8192x1024xf32, #tpu.memory_space<hbm>>, %arg3: memref<8192x1024xf32, #tpu.memory_space<hbm>>, %arg4: memref<2x32x1024xf32, #tpu.memory_space<vmem>>, %arg5: memref<16x2x32x1024xf32, #tpu.memory_space<vmem_shared>>, %arg6: memref<2x!tpu.dma_semaphore, #tpu.memory_space<semaphore_mem>>, %arg7: memref<2x!tpu.dma_semaphore, #tpu.memory_space<semaphore_mem>>, %arg8: memref<2x!tpu.dma_semaphore, #tpu.memory_space<semaphore_mem>>, %arg9: memref<2x!tpu.dma_semaphore, #tpu.memory_space<semaphore_mem>>) attributes {dimension_semantics = [#tpu.dimension_semantics<core_parallel>, #tpu.dimension_semantics<subcore_parallel>], iteration_bounds = array<i64: 2, 16>, scalar_prefetch = 0 : i64, scratch_operands = 6 : i64, tpu.core_type = #tpu.core_type<sc_vector_subcore>, window_params = [{transform_indices = #map}, {transform_indices = #map}]} {
    %mul3A = arith.constant 16 : i32
    %mul3A_0 = arith.muli %arg0, %mul3A : i32
    %add3A = arith.addi %mul3A_0, %arg1 : i32
    %mul3A_1 = arith.constant 256 : i32
    %mul3A_2 = arith.muli %add3A, %mul3A_1 : i32
    %add3A_3 = arith.constant 128 : i32
    %add3A_4 = arith.addi %mul3A_2, %add3A_3 : i32
    %add3A_5 = arith.constant 0 : i32
    %add3A_6 = arith.addi %mul3A_2, %add3A_5 : i32
    %dma_start3A = arith.constant 0 : i32
    %dma_start3A_7 = arith.constant 0 : i32
    %dma_start3A_8 = arith.constant 0 : i32
    %dma_start3A_9 = arith.constant 0 : i32
    %dma_start3A_10 = tpu.memref_slice %arg4[%dma_start3A, %dma_start3A_8, %dma_start3A_9] : memref<2x32x1024xf32, #tpu.memory_space<vmem>> -> memref<1x32x1024xf32, #tpu.memory_space<vmem>>
    %dma_start3A_11 = tpu.memref_squeeze %dma_start3A_10 : memref<1x32x1024xf32, #tpu.memory_space<vmem>> -> memref<32x1024xf32, #tpu.memory_space<vmem>>
    %dma_start3A_12 = arith.constant 0 : i32
    %dma_start3A_13 = tpu.memref_slice %arg2[%add3A_6, %dma_start3A_12] : memref<8192x1024xf32, #tpu.memory_space<hbm>> -> memref<32x1024xf32, #tpu.memory_space<hbm>>
    %dma_start3A_14 = tpu.memref_slice %arg6[%dma_start3A_7] : memref<2x!tpu.dma_semaphore, #tpu.memory_space<semaphore_mem>> -> memref<1x!tpu.dma_semaphore, #tpu.memory_space<semaphore_mem>>
    %dma_start3A_15 = tpu.memref_squeeze %dma_start3A_14 : memref<1x!tpu.dma_semaphore, #tpu.memory_space<semaphore_mem>> -> memref<!tpu.dma_semaphore, #tpu.memory_space<semaphore_mem>>
    %dma_start3A_16 = arith.constant 0 : i32
    %dma_start3A_17 = arith.constant 0 : i32
    %dma_start3A_18 = tpu.memref_slice %arg4[%dma_start3A, %dma_start3A_16, %dma_start3A_17] : memref<2x32x1024xf32, #tpu.memory_space<vmem>> -> memref<1x32x1024xf32, #tpu.memory_space<vmem>>
    %dma_start3A_19 = tpu.memref_squeeze %dma_start3A_18 : memref<1x32x1024xf32, #tpu.memory_space<vmem>> -> memref<32x1024xf32, #tpu.memory_space<vmem>>
    %dma_start3A_20 = arith.constant 0 : i32
    %dma_start3A_21 = tpu.memref_slice %arg2[%add3A_6, %dma_start3A_20] : memref<8192x1024xf32, #tpu.memory_space<hbm>> -> memref<32x1024xf32, #tpu.memory_space<hbm>>
    tpu.enqueue_dma source(%dma_start3A_21 : memref<32x1024xf32, #tpu.memory_space<hbm>>) target(%dma_start3A_19 : memref<32x1024xf32, #tpu.memory_space<vmem>>) target_semaphore(%dma_start3A_15 : memref<!tpu.dma_semaphore, #tpu.memory_space<semaphore_mem>>)
    %add3A_22 = arith.constant 0 : i32
    %add3A_23 = arith.addi %add3A_4, %add3A_22 : i32
    %dma_start3A_24 = arith.constant 0 : i32
    %dma_start3A_25 = arith.constant 0 : i32
    %dma_start3A_26 = tpu.memref_slice %arg8[%dma_start3A_25] : memref<2x!tpu.dma_semaphore, #tpu.memory_space<semaphore_mem>> -> memref<1x!tpu.dma_semaphore, #tpu.memory_space<semaphore_mem>>
    %dma_start3A_27 = tpu.memref_squeeze %dma_start3A_26 : memref<1x!tpu.dma_semaphore, #tpu.memory_space<semaphore_mem>> -> memref<!tpu.dma_semaphore, #tpu.memory_space<semaphore_mem>>
    %dma_start3A_28 = arith.constant 0 : i32
    %dma_start3A_29 = arith.constant 0 : i32
    %dma_start3A_30 = arith.constant 0 : i32
    %dma_start3A_31 = tpu.memref_slice %arg5[%arg1, %dma_start3A_28, %dma_start3A_29, %dma_start3A_30] : memref<16x2x32x1024xf32, #tpu.memory_space<vmem_shared>> -> memref<1x2x32x1024xf32, #tpu.memory_space<vmem_shared>>
    %dma_start3A_32 = tpu.memref_squeeze %dma_start3A_31 : memref<1x2x32x1024xf32, #tpu.memory_space<vmem_shared>> -> memref<2x32x1024xf32, #tpu.memory_space<vmem_shared>>
    %dma_start3A_33 = arith.constant 0 : i32
    %dma_start3A_34 = arith.constant 0 : i32
    %dma_start3A_35 = tpu.memref_slice %dma_start3A_32[%dma_start3A_24, %dma_start3A_33, %dma_start3A_34] : memref<2x32x1024xf32, #tpu.memory_space<vmem_shared>> -> memref<1x32x1024xf32, #tpu.memory_space<vmem_shared>>
    %dma_start3A_36 = tpu.memref_squeeze %dma_start3A_35 : memref<1x32x1024xf32, #tpu.memory_space<vmem_shared>> -> memref<32x1024xf32, #tpu.memory_space<vmem_shared>>
    %dma_start3A_37 = arith.constant 0 : i32
    %dma_start3A_38 = tpu.memref_slice %arg2[%add3A_23, %dma_start3A_37] : memref<8192x1024xf32, #tpu.memory_space<hbm>> -> memref<32x1024xf32, #tpu.memory_space<hbm>>
    tpu.enqueue_dma source(%dma_start3A_38 : memref<32x1024xf32, #tpu.memory_space<hbm>>) target(%dma_start3A_36 : memref<32x1024xf32, #tpu.memory_space<vmem_shared>>) target_semaphore(%dma_start3A_27 : memref<!tpu.dma_semaphore, #tpu.memory_space<semaphore_mem>>)
    %add3A_39 = arith.constant 32 : i32
    %add3A_40 = arith.addi %mul3A_2, %add3A_39 : i32
    %dma_start3A_41 = arith.constant 1 : i32
    %dma_start3A_42 = arith.constant 1 : i32
    %dma_start3A_43 = arith.constant 0 : i32
    %dma_start3A_44 = arith.constant 0 : i32
    %dma_start3A_45 = tpu.memref_slice %arg4[%dma_start3A_41, %dma_start3A_43, %dma_start3A_44] : memref<2x32x1024xf32, #tpu.memory_space<vmem>> -> memref<1x32x1024xf32, #tpu.memory_space<vmem>>
    %dma_start3A_46 = tpu.memref_squeeze %dma_start3A_45 : memref<1x32x1024xf32, #tpu.memory_space<vmem>> -> memref<32x1024xf32, #tpu.memory_space<vmem>>
    %dma_start3A_47 = arith.constant 0 : i32
    %dma_start3A_48 = tpu.memref_slice %arg2[%add3A_40, %dma_start3A_47] : memref<8192x1024xf32, #tpu.memory_space<hbm>> -> memref<32x1024xf32, #tpu.memory_space<hbm>>
    %dma_start3A_49 = tpu.memref_slice %arg6[%dma_start3A_42] : memref<2x!tpu.dma_semaphore, #tpu.memory_space<semaphore_mem>> -> memref<1x!tpu.dma_semaphore, #tpu.memory_space<semaphore_mem>>
    %dma_start3A_50 = tpu.memref_squeeze %dma_start3A_49 : memref<1x!tpu.dma_semaphore, #tpu.memory_space<semaphore_mem>> -> memref<!tpu.dma_semaphore, #tpu.memory_space<semaphore_mem>>
    %dma_start3A_51 = arith.constant 0 : i32
    %dma_start3A_52 = arith.constant 0 : i32
    %dma_start3A_53 = tpu.memref_slice %arg4[%dma_start3A_41, %dma_start3A_51, %dma_start3A_52] : memref<2x32x1024xf32, #tpu.memory_space<vmem>> -> memref<1x32x1024xf32, #tpu.memory_space<vmem>>
    %dma_start3A_54 = tpu.memref_squeeze %dma_start3A_53 : memref<1x32x1024xf32, #tpu.memory_space<vmem>> -> memref<32x1024xf32, #tpu.memory_space<vmem>>
    %dma_start3A_55 = arith.constant 0 : i32
    %dma_start3A_56 = tpu.memref_slice %arg2[%add3A_40, %dma_start3A_55] : memref<8192x1024xf32, #tpu.memory_space<hbm>> -> memref<32x1024xf32, #tpu.memory_space<hbm>>
    tpu.enqueue_dma source(%dma_start3A_56 : memref<32x1024xf32, #tpu.memory_space<hbm>>) target(%dma_start3A_54 : memref<32x1024xf32, #tpu.memory_space<vmem>>) target_semaphore(%dma_start3A_50 : memref<!tpu.dma_semaphore, #tpu.memory_space<semaphore_mem>>)
    %add3A_57 = arith.constant 32 : i32
    %add3A_58 = arith.addi %add3A_4, %add3A_57 : i32
    %dma_start3A_59 = arith.constant 1 : i32
    %dma_start3A_60 = arith.constant 1 : i32
    %dma_start3A_61 = tpu.memref_slice %arg8[%dma_start3A_60] : memref<2x!tpu.dma_semaphore, #tpu.memory_space<semaphore_mem>> -> memref<1x!tpu.dma_semaphore, #tpu.memory_space<semaphore_mem>>
    %dma_start3A_62 = tpu.memref_squeeze %dma_start3A_61 : memref<1x!tpu.dma_semaphore, #tpu.memory_space<semaphore_mem>> -> memref<!tpu.dma_semaphore, #tpu.memory_space<semaphore_mem>>
    %dma_start3A_63 = arith.constant 0 : i32
    %dma_start3A_64 = arith.constant 0 : i32
    %dma_start3A_65 = arith.constant 0 : i32
    %dma_start3A_66 = tpu.memref_slice %arg5[%arg1, %dma_start3A_63, %dma_start3A_64, %dma_start3A_65] : memref<16x2x32x1024xf32, #tpu.memory_space<vmem_shared>> -> memref<1x2x32x1024xf32, #tpu.memory_space<vmem_shared>>
    %dma_start3A_67 = tpu.memref_squeeze %dma_start3A_66 : memref<1x2x32x1024xf32, #tpu.memory_space<vmem_shared>> -> memref<2x32x1024xf32, #tpu.memory_space<vmem_shared>>
    %dma_start3A_68 = arith.constant 0 : i32
    %dma_start3A_69 = arith.constant 0 : i32
    %dma_start3A_70 = tpu.memref_slice %dma_start3A_67[%dma_start3A_59, %dma_start3A_68, %dma_start3A_69] : memref<2x32x1024xf32, #tpu.memory_space<vmem_shared>> -> memref<1x32x1024xf32, #tpu.memory_space<vmem_shared>>
    %dma_start3A_71 = tpu.memref_squeeze %dma_start3A_70 : memref<1x32x1024xf32, #tpu.memory_space<vmem_shared>> -> memref<32x1024xf32, #tpu.memory_space<vmem_shared>>
    %dma_start3A_72 = arith.constant 0 : i32
    %dma_start3A_73 = tpu.memref_slice %arg2[%add3A_58, %dma_start3A_72] : memref<8192x1024xf32, #tpu.memory_space<hbm>> -> memref<32x1024xf32, #tpu.memory_space<hbm>>
    tpu.enqueue_dma source(%dma_start3A_73 : memref<32x1024xf32, #tpu.memory_space<hbm>>) target(%dma_start3A_71 : memref<32x1024xf32, #tpu.memory_space<vmem_shared>>) target_semaphore(%dma_start3A_62 : memref<!tpu.dma_semaphore, #tpu.memory_space<semaphore_mem>>)
    %add3A_74 = arith.constant 0 : i32
    %add3A_75 = arith.addi %mul3A_2, %add3A_74 : i32
    %dma_wait3A = arith.constant 0 : i32
    %dma_wait3A_76 = arith.constant 0 : i32
    %dma_wait3A_77 = arith.constant 0 : i32
    %dma_wait3A_78 = arith.constant 0 : i32
    %dma_wait3A_79 = tpu.memref_slice %arg4[%dma_wait3A, %dma_wait3A_77, %dma_wait3A_78] : memref<2x32x1024xf32, #tpu.memory_space<vmem>> -> memref<1x32x1024xf32, #tpu.memory_space<vmem>>
    %dma_wait3A_80 = tpu.memref_squeeze %dma_wait3A_79 : memref<1x32x1024xf32, #tpu.memory_space<vmem>> -> memref<32x1024xf32, #tpu.memory_space<vmem>>
    %dma_wait3A_81 = arith.constant 0 : i32
    %dma_wait3A_82 = tpu.memref_slice %arg2[%add3A_75, %dma_wait3A_81] : memref<8192x1024xf32, #tpu.memory_space<hbm>> -> memref<32x1024xf32, #tpu.memory_space<hbm>>
    %dma_wait3A_83 = tpu.memref_slice %arg6[%dma_wait3A_76] : memref<2x!tpu.dma_semaphore, #tpu.memory_space<semaphore_mem>> -> memref<1x!tpu.dma_semaphore, #tpu.memory_space<semaphore_mem>>
    %dma_wait3A_84 = tpu.memref_squeeze %dma_wait3A_83 : memref<1x!tpu.dma_semaphore, #tpu.memory_space<semaphore_mem>> -> memref<!tpu.dma_semaphore, #tpu.memory_space<semaphore_mem>>
    %dma_wait3A_85 = arith.constant 0 : i32
    %dma_wait3A_86 = arith.constant 0 : i32
    %dma_wait3A_87 = tpu.memref_slice %arg4[%dma_wait3A, %dma_wait3A_85, %dma_wait3A_86] : memref<2x32x1024xf32, #tpu.memory_space<vmem>> -> memref<1x32x1024xf32, #tpu.memory_space<vmem>>
    %dma_wait3A_88 = tpu.memref_squeeze %dma_wait3A_87 : memref<1x32x1024xf32, #tpu.memory_space<vmem>> -> memref<32x1024xf32, #tpu.memory_space<vmem>>
    %dma_wait3A_89 = arith.constant 0 : i32
    %dma_wait3A_90 = tpu.memref_slice %arg2[%add3A_75, %dma_wait3A_89] : memref<8192x1024xf32, #tpu.memory_space<hbm>> -> memref<32x1024xf32, #tpu.memory_space<hbm>>
    tpu.wait_dma2 semaphore(%dma_wait3A_84 : memref<!tpu.dma_semaphore, #tpu.memory_space<semaphore_mem>>) src(%dma_wait3A_90 : memref<32x1024xf32, #tpu.memory_space<hbm>>) dst(%dma_wait3A_88 : memref<32x1024xf32, #tpu.memory_space<vmem>>)
    %add3A_91 = arith.constant 0 : i32
    %add3A_92 = arith.addi %mul3A_2, %add3A_91 : i32
    %dma_start3A_93 = arith.constant 0 : i32
    %dma_start3A_94 = arith.constant 0 : i32
    %dma_start3A_95 = arith.constant 0 : i32
    %dma_start3A_96 = arith.constant 0 : i32
    %dma_start3A_97 = tpu.memref_slice %arg4[%dma_start3A_93, %dma_start3A_95, %dma_start3A_96] : memref<2x32x1024xf32, #tpu.memory_space<vmem>> -> memref<1x32x1024xf32, #tpu.memory_space<vmem>>
    %dma_start3A_98 = tpu.memref_squeeze %dma_start3A_97 : memref<1x32x1024xf32, #tpu.memory_space<vmem>> -> memref<32x1024xf32, #tpu.memory_space<vmem>>
    %dma_start3A_99 = arith.constant 0 : i32
    %dma_start3A_100 = tpu.memref_slice %arg3[%add3A_92, %dma_start3A_99] : memref<8192x1024xf32, #tpu.memory_space<hbm>> -> memref<32x1024xf32, #tpu.memory_space<hbm>>
    %dma_start3A_101 = tpu.memref_slice %arg7[%dma_start3A_94] : memref<2x!tpu.dma_semaphore, #tpu.memory_space<semaphore_mem>> -> memref<1x!tpu.dma_semaphore, #tpu.memory_space<semaphore_mem>>
    %dma_start3A_102 = tpu.memref_squeeze %dma_start3A_101 : memref<1x!tpu.dma_semaphore, #tpu.memory_space<semaphore_mem>> -> memref<!tpu.dma_semaphore, #tpu.memory_space<semaphore_mem>>
    %dma_start3A_103 = arith.constant 0 : i32
    %dma_start3A_104 = tpu.memref_slice %arg3[%add3A_92, %dma_start3A_103] : memref<8192x1024xf32, #tpu.memory_space<hbm>> -> memref<32x1024xf32, #tpu.memory_space<hbm>>
    %dma_start3A_105 = arith.constant 0 : i32
    %dma_start3A_106 = arith.constant 0 : i32
    %dma_start3A_107 = tpu.memref_slice %arg4[%dma_start3A_93, %dma_start3A_105, %dma_start3A_106] : memref<2x32x1024xf32, #tpu.memory_space<vmem>> -> memref<1x32x1024xf32, #tpu.memory_space<vmem>>
    %dma_start3A_108 = tpu.memref_squeeze %dma_start3A_107 : memref<1x32x1024xf32, #tpu.memory_space<vmem>> -> memref<32x1024xf32, #tpu.memory_space<vmem>>
    tpu.enqueue_dma source(%dma_start3A_108 : memref<32x1024xf32, #tpu.memory_space<vmem>>) target(%dma_start3A_104 : memref<32x1024xf32, #tpu.memory_space<hbm>>) target_semaphore(%dma_start3A_102 : memref<!tpu.dma_semaphore, #tpu.memory_space<semaphore_mem>>)
    %add3A_109 = arith.constant 0 : i32
    %add3A_110 = arith.addi %add3A_4, %add3A_109 : i32
    %dma_wait3A_111 = arith.constant 0 : i32
    %dma_wait3A_112 = arith.constant 0 : i32
    %dma_wait3A_113 = tpu.memref_slice %arg8[%dma_wait3A_112] : memref<2x!tpu.dma_semaphore, #tpu.memory_space<semaphore_mem>> -> memref<1x!tpu.dma_semaphore, #tpu.memory_space<semaphore_mem>>
    %dma_wait3A_114 = tpu.memref_squeeze %dma_wait3A_113 : memref<1x!tpu.dma_semaphore, #tpu.memory_space<semaphore_mem>> -> memref<!tpu.dma_semaphore, #tpu.memory_space<semaphore_mem>>
    %dma_wait3A_115 = arith.constant 0 : i32
    %dma_wait3A_116 = arith.constant 0 : i32
    %dma_wait3A_117 = arith.constant 0 : i32
    %dma_wait3A_118 = tpu.memref_slice %arg5[%arg1, %dma_wait3A_115, %dma_wait3A_116, %dma_wait3A_117] : memref<16x2x32x1024xf32, #tpu.memory_space<vmem_shared>> -> memref<1x2x32x1024xf32, #tpu.memory_space<vmem_shared>>
    %dma_wait3A_119 = tpu.memref_squeeze %dma_wait3A_118 : memref<1x2x32x1024xf32, #tpu.memory_space<vmem_shared>> -> memref<2x32x1024xf32, #tpu.memory_space<vmem_shared>>
    %dma_wait3A_120 = arith.constant 0 : i32
    %dma_wait3A_121 = arith.constant 0 : i32
    %dma_wait3A_122 = tpu.memref_slice %dma_wait3A_119[%dma_wait3A_111, %dma_wait3A_120, %dma_wait3A_121] : memref<2x32x1024xf32, #tpu.memory_space<vmem_shared>> -> memref<1x32x1024xf32, #tpu.memory_space<vmem_shared>>
    %dma_wait3A_123 = tpu.memref_squeeze %dma_wait3A_122 : memref<1x32x1024xf32, #tpu.memory_space<vmem_shared>> -> memref<32x1024xf32, #tpu.memory_space<vmem_shared>>
    %dma_wait3A_124 = arith.constant 0 : i32
    %dma_wait3A_125 = tpu.memref_slice %arg2[%add3A_110, %dma_wait3A_124] : memref<8192x1024xf32, #tpu.memory_space<hbm>> -> memref<32x1024xf32, #tpu.memory_space<hbm>>
    tpu.wait_dma2 semaphore(%dma_wait3A_114 : memref<!tpu.dma_semaphore, #tpu.memory_space<semaphore_mem>>) src(%dma_wait3A_125 : memref<32x1024xf32, #tpu.memory_space<hbm>>) dst(%dma_wait3A_123 : memref<32x1024xf32, #tpu.memory_space<vmem_shared>>)
    %add3A_126 = arith.constant 0 : i32
    %add3A_127 = arith.addi %add3A_4, %add3A_126 : i32
    %dma_start3A_128 = arith.constant 0 : i32
    %dma_start3A_129 = arith.constant 0 : i32
    %dma_start3A_130 = tpu.memref_slice %arg9[%dma_start3A_129] : memref<2x!tpu.dma_semaphore, #tpu.memory_space<semaphore_mem>> -> memref<1x!tpu.dma_semaphore, #tpu.memory_space<semaphore_mem>>
    %dma_start3A_131 = tpu.memref_squeeze %dma_start3A_130 : memref<1x!tpu.dma_semaphore, #tpu.memory_space<semaphore_mem>> -> memref<!tpu.dma_semaphore, #tpu.memory_space<semaphore_mem>>
    %dma_start3A_132 = arith.constant 0 : i32
    %dma_start3A_133 = tpu.memref_slice %arg3[%add3A_127, %dma_start3A_132] : memref<8192x1024xf32, #tpu.memory_space<hbm>> -> memref<32x1024xf32, #tpu.memory_space<hbm>>
    %dma_start3A_134 = arith.constant 0 : i32
    %dma_start3A_135 = arith.constant 0 : i32
    %dma_start3A_136 = arith.constant 0 : i32
    %dma_start3A_137 = tpu.memref_slice %arg5[%arg1, %dma_start3A_134, %dma_start3A_135, %dma_start3A_136] : memref<16x2x32x1024xf32, #tpu.memory_space<vmem_shared>> -> memref<1x2x32x1024xf32, #tpu.memory_space<vmem_shared>>
    %dma_start3A_138 = tpu.memref_squeeze %dma_start3A_137 : memref<1x2x32x1024xf32, #tpu.memory_space<vmem_shared>> -> memref<2x32x1024xf32, #tpu.memory_space<vmem_shared>>
    %dma_start3A_139 = arith.constant 0 : i32
    %dma_start3A_140 = arith.constant 0 : i32
    %dma_start3A_141 = tpu.memref_slice %dma_start3A_138[%dma_start3A_128, %dma_start3A_139, %dma_start3A_140] : memref<2x32x1024xf32, #tpu.memory_space<vmem_shared>> -> memref<1x32x1024xf32, #tpu.memory_space<vmem_shared>>
    %dma_start3A_142 = tpu.memref_squeeze %dma_start3A_141 : memref<1x32x1024xf32, #tpu.memory_space<vmem_shared>> -> memref<32x1024xf32, #tpu.memory_space<vmem_shared>>
    tpu.enqueue_dma source(%dma_start3A_142 : memref<32x1024xf32, #tpu.memory_space<vmem_shared>>) target(%dma_start3A_133 : memref<32x1024xf32, #tpu.memory_space<hbm>>) target_semaphore(%dma_start3A_131 : memref<!tpu.dma_semaphore, #tpu.memory_space<semaphore_mem>>)
    %add3A_143 = arith.constant 0 : i32
    %add3A_144 = arith.addi %mul3A_2, %add3A_143 : i32
    %dma_wait3A_145 = arith.constant 0 : i32
    %dma_wait3A_146 = arith.constant 0 : i32
    %dma_wait3A_147 = arith.constant 0 : i32
    %dma_wait3A_148 = arith.constant 0 : i32
    %dma_wait3A_149 = tpu.memref_slice %arg4[%dma_wait3A_145, %dma_wait3A_147, %dma_wait3A_148] : memref<2x32x1024xf32, #tpu.memory_space<vmem>> -> memref<1x32x1024xf32, #tpu.memory_space<vmem>>
    %dma_wait3A_150 = tpu.memref_squeeze %dma_wait3A_149 : memref<1x32x1024xf32, #tpu.memory_space<vmem>> -> memref<32x1024xf32, #tpu.memory_space<vmem>>
    %dma_wait3A_151 = arith.constant 0 : i32
    %dma_wait3A_152 = tpu.memref_slice %arg3[%add3A_144, %dma_wait3A_151] : memref<8192x1024xf32, #tpu.memory_space<hbm>> -> memref<32x1024xf32, #tpu.memory_space<hbm>>
    %dma_wait3A_153 = tpu.memref_slice %arg7[%dma_wait3A_146] : memref<2x!tpu.dma_semaphore, #tpu.memory_space<semaphore_mem>> -> memref<1x!tpu.dma_semaphore, #tpu.memory_space<semaphore_mem>>
    %dma_wait3A_154 = tpu.memref_squeeze %dma_wait3A_153 : memref<1x!tpu.dma_semaphore, #tpu.memory_space<semaphore_mem>> -> memref<!tpu.dma_semaphore, #tpu.memory_space<semaphore_mem>>
    %dma_wait3A_155 = arith.constant 0 : i32
    %dma_wait3A_156 = tpu.memref_slice %arg3[%add3A_144, %dma_wait3A_155] : memref<8192x1024xf32, #tpu.memory_space<hbm>> -> memref<32x1024xf32, #tpu.memory_space<hbm>>
    %dma_wait3A_157 = arith.constant 0 : i32
    %dma_wait3A_158 = arith.constant 0 : i32
    %dma_wait3A_159 = tpu.memref_slice %arg4[%dma_wait3A_145, %dma_wait3A_157, %dma_wait3A_158] : memref<2x32x1024xf32, #tpu.memory_space<vmem>> -> memref<1x32x1024xf32, #tpu.memory_space<vmem>>
    %dma_wait3A_160 = tpu.memref_squeeze %dma_wait3A_159 : memref<1x32x1024xf32, #tpu.memory_space<vmem>> -> memref<32x1024xf32, #tpu.memory_space<vmem>>
    tpu.wait_dma2 semaphore(%dma_wait3A_154 : memref<!tpu.dma_semaphore, #tpu.memory_space<semaphore_mem>>) src(%dma_wait3A_160 : memref<32x1024xf32, #tpu.memory_space<vmem>>) dst(%dma_wait3A_156 : memref<32x1024xf32, #tpu.memory_space<hbm>>)
    %add3A_161 = arith.constant 64 : i32
    %add3A_162 = arith.addi %mul3A_2, %add3A_161 : i32
    %dma_start3A_163 = arith.constant 0 : i32
    %dma_start3A_164 = arith.constant 0 : i32
    %dma_start3A_165 = arith.constant 0 : i32
    %dma_start3A_166 = arith.constant 0 : i32
    %dma_start3A_167 = tpu.memref_slice %arg4[%dma_start3A_163, %dma_start3A_165, %dma_start3A_166] : memref<2x32x1024xf32, #tpu.memory_space<vmem>> -> memref<1x32x1024xf32, #tpu.memory_space<vmem>>
    %dma_start3A_168 = tpu.memref_squeeze %dma_start3A_167 : memref<1x32x1024xf32, #tpu.memory_space<vmem>> -> memref<32x1024xf32, #tpu.memory_space<vmem>>
    %dma_start3A_169 = arith.constant 0 : i32
    %dma_start3A_170 = tpu.memref_slice %arg2[%add3A_162, %dma_start3A_169] : memref<8192x1024xf32, #tpu.memory_space<hbm>> -> memref<32x1024xf32, #tpu.memory_space<hbm>>
    %dma_start3A_171 = tpu.memref_slice %arg6[%dma_start3A_164] : memref<2x!tpu.dma_semaphore, #tpu.memory_space<semaphore_mem>> -> memref<1x!tpu.dma_semaphore, #tpu.memory_space<semaphore_mem>>
    %dma_start3A_172 = tpu.memref_squeeze %dma_start3A_171 : memref<1x!tpu.dma_semaphore, #tpu.memory_space<semaphore_mem>> -> memref<!tpu.dma_semaphore, #tpu.memory_space<semaphore_mem>>
    %dma_start3A_173 = arith.constant 0 : i32
    %dma_start3A_174 = arith.constant 0 : i32
    %dma_start3A_175 = tpu.memref_slice %arg4[%dma_start3A_163, %dma_start3A_173, %dma_start3A_174] : memref<2x32x1024xf32, #tpu.memory_space<vmem>> -> memref<1x32x1024xf32, #tpu.memory_space<vmem>>
    %dma_start3A_176 = tpu.memref_squeeze %dma_start3A_175 : memref<1x32x1024xf32, #tpu.memory_space<vmem>> -> memref<32x1024xf32, #tpu.memory_space<vmem>>
    %dma_start3A_177 = arith.constant 0 : i32
    %dma_start3A_178 = tpu.memref_slice %arg2[%add3A_162, %dma_start3A_177] : memref<8192x1024xf32, #tpu.memory_space<hbm>> -> memref<32x1024xf32, #tpu.memory_space<hbm>>
    tpu.enqueue_dma source(%dma_start3A_178 : memref<32x1024xf32, #tpu.memory_space<hbm>>) target(%dma_start3A_176 : memref<32x1024xf32, #tpu.memory_space<vmem>>) target_semaphore(%dma_start3A_172 : memref<!tpu.dma_semaphore, #tpu.memory_space<semaphore_mem>>)
    %add3A_179 = arith.constant 0 : i32
    %add3A_180 = arith.addi %add3A_4, %add3A_179 : i32
    %dma_wait3A_181 = arith.constant 0 : i32
    %dma_wait3A_182 = arith.constant 0 : i32
    %dma_wait3A_183 = tpu.memref_slice %arg9[%dma_wait3A_182] : memref<2x!tpu.dma_semaphore, #tpu.memory_space<semaphore_mem>> -> memref<1x!tpu.dma_semaphore, #tpu.memory_space<semaphore_mem>>
    %dma_wait3A_184 = tpu.memref_squeeze %dma_wait3A_183 : memref<1x!tpu.dma_semaphore, #tpu.memory_space<semaphore_mem>> -> memref<!tpu.dma_semaphore, #tpu.memory_space<semaphore_mem>>
    %dma_wait3A_185 = arith.constant 0 : i32
    %dma_wait3A_186 = tpu.memref_slice %arg3[%add3A_180, %dma_wait3A_185] : memref<8192x1024xf32, #tpu.memory_space<hbm>> -> memref<32x1024xf32, #tpu.memory_space<hbm>>
    %dma_wait3A_187 = arith.constant 0 : i32
    %dma_wait3A_188 = arith.constant 0 : i32
    %dma_wait3A_189 = arith.constant 0 : i32
    %dma_wait3A_190 = tpu.memref_slice %arg5[%arg1, %dma_wait3A_187, %dma_wait3A_188, %dma_wait3A_189] : memref<16x2x32x1024xf32, #tpu.memory_space<vmem_shared>> -> memref<1x2x32x1024xf32, #tpu.memory_space<vmem_shared>>
    %dma_wait3A_191 = tpu.memref_squeeze %dma_wait3A_190 : memref<1x2x32x1024xf32, #tpu.memory_space<vmem_shared>> -> memref<2x32x1024xf32, #tpu.memory_space<vmem_shared>>
    %dma_wait3A_192 = arith.constant 0 : i32
    %dma_wait3A_193 = arith.constant 0 : i32
    %dma_wait3A_194 = tpu.memref_slice %dma_wait3A_191[%dma_wait3A_181, %dma_wait3A_192, %dma_wait3A_193] : memref<2x32x1024xf32, #tpu.memory_space<vmem_shared>> -> memref<1x32x1024xf32, #tpu.memory_space<vmem_shared>>
    %dma_wait3A_195 = tpu.memref_squeeze %dma_wait3A_194 : memref<1x32x1024xf32, #tpu.memory_space<vmem_shared>> -> memref<32x1024xf32, #tpu.memory_space<vmem_shared>>
    tpu.wait_dma2 semaphore(%dma_wait3A_184 : memref<!tpu.dma_semaphore, #tpu.memory_space<semaphore_mem>>) src(%dma_wait3A_195 : memref<32x1024xf32, #tpu.memory_space<vmem_shared>>) dst(%dma_wait3A_186 : memref<32x1024xf32, #tpu.memory_space<hbm>>)
    %add3A_196 = arith.constant 64 : i32
    %add3A_197 = arith.addi %add3A_4, %add3A_196 : i32
    %dma_start3A_198 = arith.constant 0 : i32
    %dma_start3A_199 = arith.constant 0 : i32
    %dma_start3A_200 = tpu.memref_slice %arg8[%dma_start3A_199] : memref<2x!tpu.dma_semaphore, #tpu.memory_space<semaphore_mem>> -> memref<1x!tpu.dma_semaphore, #tpu.memory_space<semaphore_mem>>
    %dma_start3A_201 = tpu.memref_squeeze %dma_start3A_200 : memref<1x!tpu.dma_semaphore, #tpu.memory_space<semaphore_mem>> -> memref<!tpu.dma_semaphore, #tpu.memory_space<semaphore_mem>>
    %dma_start3A_202 = arith.constant 0 : i32
    %dma_start3A_203 = arith.constant 0 : i32
    %dma_start3A_204 = arith.constant 0 : i32
    %dma_start3A_205 = tpu.memref_slice %arg5[%arg1, %dma_start3A_202, %dma_start3A_203, %dma_start3A_204] : memref<16x2x32x1024xf32, #tpu.memory_space<vmem_shared>> -> memref<1x2x32x1024xf32, #tpu.memory_space<vmem_shared>>
    %dma_start3A_206 = tpu.memref_squeeze %dma_start3A_205 : memref<1x2x32x1024xf32, #tpu.memory_space<vmem_shared>> -> memref<2x32x1024xf32, #tpu.memory_space<vmem_shared>>
    %dma_start3A_207 = arith.constant 0 : i32
    %dma_start3A_208 = arith.constant 0 : i32
    %dma_start3A_209 = tpu.memref_slice %dma_start3A_206[%dma_start3A_198, %dma_start3A_207, %dma_start3A_208] : memref<2x32x1024xf32, #tpu.memory_space<vmem_shared>> -> memref<1x32x1024xf32, #tpu.memory_space<vmem_shared>>
    %dma_start3A_210 = tpu.memref_squeeze %dma_start3A_209 : memref<1x32x1024xf32, #tpu.memory_space<vmem_shared>> -> memref<32x1024xf32, #tpu.memory_space<vmem_shared>>
    %dma_start3A_211 = arith.constant 0 : i32
    %dma_start3A_212 = tpu.memref_slice %arg2[%add3A_197, %dma_start3A_211] : memref<8192x1024xf32, #tpu.memory_space<hbm>> -> memref<32x1024xf32, #tpu.memory_space<hbm>>
    tpu.enqueue_dma source(%dma_start3A_212 : memref<32x1024xf32, #tpu.memory_space<hbm>>) target(%dma_start3A_210 : memref<32x1024xf32, #tpu.memory_space<vmem_shared>>) target_semaphore(%dma_start3A_201 : memref<!tpu.dma_semaphore, #tpu.memory_space<semaphore_mem>>)
    %add3A_213 = arith.constant 32 : i32
    %add3A_214 = arith.addi %mul3A_2, %add3A_213 : i32
    %dma_wait3A_215 = arith.constant 1 : i32
    %dma_wait3A_216 = arith.constant 1 : i32
    %dma_wait3A_217 = arith.constant 0 : i32
    %dma_wait3A_218 = arith.constant 0 : i32
    %dma_wait3A_219 = tpu.memref_slice %arg4[%dma_wait3A_215, %dma_wait3A_217, %dma_wait3A_218] : memref<2x32x1024xf32, #tpu.memory_space<vmem>> -> memref<1x32x1024xf32, #tpu.memory_space<vmem>>
    %dma_wait3A_220 = tpu.memref_squeeze %dma_wait3A_219 : memref<1x32x1024xf32, #tpu.memory_space<vmem>> -> memref<32x1024xf32, #tpu.memory_space<vmem>>
    %dma_wait3A_221 = arith.constant 0 : i32
    %dma_wait3A_222 = tpu.memref_slice %arg2[%add3A_214, %dma_wait3A_221] : memref<8192x1024xf32, #tpu.memory_space<hbm>> -> memref<32x1024xf32, #tpu.memory_space<hbm>>
    %dma_wait3A_223 = tpu.memref_slice %arg6[%dma_wait3A_216] : memref<2x!tpu.dma_semaphore, #tpu.memory_space<semaphore_mem>> -> memref<1x!tpu.dma_semaphore, #tpu.memory_space<semaphore_mem>>
    %dma_wait3A_224 = tpu.memref_squeeze %dma_wait3A_223 : memref<1x!tpu.dma_semaphore, #tpu.memory_space<semaphore_mem>> -> memref<!tpu.dma_semaphore, #tpu.memory_space<semaphore_mem>>
    %dma_wait3A_225 = arith.constant 0 : i32
    %dma_wait3A_226 = arith.constant 0 : i32
    %dma_wait3A_227 = tpu.memref_slice %arg4[%dma_wait3A_215, %dma_wait3A_225, %dma_wait3A_226] : memref<2x32x1024xf32, #tpu.memory_space<vmem>> -> memref<1x32x1024xf32, #tpu.memory_space<vmem>>
    %dma_wait3A_228 = tpu.memref_squeeze %dma_wait3A_227 : memref<1x32x1024xf32, #tpu.memory_space<vmem>> -> memref<32x1024xf32, #tpu.memory_space<vmem>>
    %dma_wait3A_229 = arith.constant 0 : i32
    %dma_wait3A_230 = tpu.memref_slice %arg2[%add3A_214, %dma_wait3A_229] : memref<8192x1024xf32, #tpu.memory_space<hbm>> -> memref<32x1024xf32, #tpu.memory_space<hbm>>
    tpu.wait_dma2 semaphore(%dma_wait3A_224 : memref<!tpu.dma_semaphore, #tpu.memory_space<semaphore_mem>>) src(%dma_wait3A_230 : memref<32x1024xf32, #tpu.memory_space<hbm>>) dst(%dma_wait3A_228 : memref<32x1024xf32, #tpu.memory_space<vmem>>)
    %add3A_231 = arith.constant 32 : i32
    %add3A_232 = arith.addi %mul3A_2, %add3A_231 : i32
    %dma_start3A_233 = arith.constant 1 : i32
    %dma_start3A_234 = arith.constant 1 : i32
    %dma_start3A_235 = arith.constant 0 : i32
    %dma_start3A_236 = arith.constant 0 : i32
    %dma_start3A_237 = tpu.memref_slice %arg4[%dma_start3A_233, %dma_start3A_235, %dma_start3A_236] : memref<2x32x1024xf32, #tpu.memory_space<vmem>> -> memref<1x32x1024xf32, #tpu.memory_space<vmem>>
    %dma_start3A_238 = tpu.memref_squeeze %dma_start3A_237 : memref<1x32x1024xf32, #tpu.memory_space<vmem>> -> memref<32x1024xf32, #tpu.memory_space<vmem>>
    %dma_start3A_239 = arith.constant 0 : i32
    %dma_start3A_240 = tpu.memref_slice %arg3[%add3A_232, %dma_start3A_239] : memref<8192x1024xf32, #tpu.memory_space<hbm>> -> memref<32x1024xf32, #tpu.memory_space<hbm>>
    %dma_start3A_241 = tpu.memref_slice %arg7[%dma_start3A_234] : memref<2x!tpu.dma_semaphore, #tpu.memory_space<semaphore_mem>> -> memref<1x!tpu.dma_semaphore, #tpu.memory_space<semaphore_mem>>
    %dma_start3A_242 = tpu.memref_squeeze %dma_start3A_241 : memref<1x!tpu.dma_semaphore, #tpu.memory_space<semaphore_mem>> -> memref<!tpu.dma_semaphore, #tpu.memory_space<semaphore_mem>>
    %dma_start3A_243 = arith.constant 0 : i32
    %dma_start3A_244 = tpu.memref_slice %arg3[%add3A_232, %dma_start3A_243] : memref<8192x1024xf32, #tpu.memory_space<hbm>> -> memref<32x1024xf32, #tpu.memory_space<hbm>>
    %dma_start3A_245 = arith.constant 0 : i32
    %dma_start3A_246 = arith.constant 0 : i32
    %dma_start3A_247 = tpu.memref_slice %arg4[%dma_start3A_233, %dma_start3A_245, %dma_start3A_246] : memref<2x32x1024xf32, #tpu.memory_space<vmem>> -> memref<1x32x1024xf32, #tpu.memory_space<vmem>>
    %dma_start3A_248 = tpu.memref_squeeze %dma_start3A_247 : memref<1x32x1024xf32, #tpu.memory_space<vmem>> -> memref<32x1024xf32, #tpu.memory_space<vmem>>
    tpu.enqueue_dma source(%dma_start3A_248 : memref<32x1024xf32, #tpu.memory_space<vmem>>) target(%dma_start3A_244 : memref<32x1024xf32, #tpu.memory_space<hbm>>) target_semaphore(%dma_start3A_242 : memref<!tpu.dma_semaphore, #tpu.memory_space<semaphore_mem>>)
    %add3A_249 = arith.constant 32 : i32
    %add3A_250 = arith.addi %add3A_4, %add3A_249 : i32
    %dma_wait3A_251 = arith.constant 1 : i32
    %dma_wait3A_252 = arith.constant 1 : i32
    %dma_wait3A_253 = tpu.memref_slice %arg8[%dma_wait3A_252] : memref<2x!tpu.dma_semaphore, #tpu.memory_space<semaphore_mem>> -> memref<1x!tpu.dma_semaphore, #tpu.memory_space<semaphore_mem>>
    %dma_wait3A_254 = tpu.memref_squeeze %dma_wait3A_253 : memref<1x!tpu.dma_semaphore, #tpu.memory_space<semaphore_mem>> -> memref<!tpu.dma_semaphore, #tpu.memory_space<semaphore_mem>>
    %dma_wait3A_255 = arith.constant 0 : i32
    %dma_wait3A_256 = arith.constant 0 : i32
    %dma_wait3A_257 = arith.constant 0 : i32
    %dma_wait3A_258 = tpu.memref_slice %arg5[%arg1, %dma_wait3A_255, %dma_wait3A_256, %dma_wait3A_257] : memref<16x2x32x1024xf32, #tpu.memory_space<vmem_shared>> -> memref<1x2x32x1024xf32, #tpu.memory_space<vmem_shared>>
    %dma_wait3A_259 = tpu.memref_squeeze %dma_wait3A_258 : memref<1x2x32x1024xf32, #tpu.memory_space<vmem_shared>> -> memref<2x32x1024xf32, #tpu.memory_space<vmem_shared>>
    %dma_wait3A_260 = arith.constant 0 : i32
    %dma_wait3A_261 = arith.constant 0 : i32
    %dma_wait3A_262 = tpu.memref_slice %dma_wait3A_259[%dma_wait3A_251, %dma_wait3A_260, %dma_wait3A_261] : memref<2x32x1024xf32, #tpu.memory_space<vmem_shared>> -> memref<1x32x1024xf32, #tpu.memory_space<vmem_shared>>
    %dma_wait3A_263 = tpu.memref_squeeze %dma_wait3A_262 : memref<1x32x1024xf32, #tpu.memory_space<vmem_shared>> -> memref<32x1024xf32, #tpu.memory_space<vmem_shared>>
    %dma_wait3A_264 = arith.constant 0 : i32
    %dma_wait3A_265 = tpu.memref_slice %arg2[%add3A_250, %dma_wait3A_264] : memref<8192x1024xf32, #tpu.memory_space<hbm>> -> memref<32x1024xf32, #tpu.memory_space<hbm>>
    tpu.wait_dma2 semaphore(%dma_wait3A_254 : memref<!tpu.dma_semaphore, #tpu.memory_space<semaphore_mem>>) src(%dma_wait3A_265 : memref<32x1024xf32, #tpu.memory_space<hbm>>) dst(%dma_wait3A_263 : memref<32x1024xf32, #tpu.memory_space<vmem_shared>>)
    %add3A_266 = arith.constant 32 : i32
    %add3A_267 = arith.addi %add3A_4, %add3A_266 : i32
    %dma_start3A_268 = arith.constant 1 : i32
    %dma_start3A_269 = arith.constant 1 : i32
    %dma_start3A_270 = tpu.memref_slice %arg9[%dma_start3A_269] : memref<2x!tpu.dma_semaphore, #tpu.memory_space<semaphore_mem>> -> memref<1x!tpu.dma_semaphore, #tpu.memory_space<semaphore_mem>>
    %dma_start3A_271 = tpu.memref_squeeze %dma_start3A_270 : memref<1x!tpu.dma_semaphore, #tpu.memory_space<semaphore_mem>> -> memref<!tpu.dma_semaphore, #tpu.memory_space<semaphore_mem>>
    %dma_start3A_272 = arith.constant 0 : i32
    %dma_start3A_273 = tpu.memref_slice %arg3[%add3A_267, %dma_start3A_272] : memref<8192x1024xf32, #tpu.memory_space<hbm>> -> memref<32x1024xf32, #tpu.memory_space<hbm>>
    %dma_start3A_274 = arith.constant 0 : i32
    %dma_start3A_275 = arith.constant 0 : i32
    %dma_start3A_276 = arith.constant 0 : i32
    %dma_start3A_277 = tpu.memref_slice %arg5[%arg1, %dma_start3A_274, %dma_start3A_275, %dma_start3A_276] : memref<16x2x32x1024xf32, #tpu.memory_space<vmem_shared>> -> memref<1x2x32x1024xf32, #tpu.memory_space<vmem_shared>>
    %dma_start3A_278 = tpu.memref_squeeze %dma_start3A_277 : memref<1x2x32x1024xf32, #tpu.memory_space<vmem_shared>> -> memref<2x32x1024xf32, #tpu.memory_space<vmem_shared>>
    %dma_start3A_279 = arith.constant 0 : i32
    %dma_start3A_280 = arith.constant 0 : i32
    %dma_start3A_281 = tpu.memref_slice %dma_start3A_278[%dma_start3A_268, %dma_start3A_279, %dma_start3A_280] : memref<2x32x1024xf32, #tpu.memory_space<vmem_shared>> -> memref<1x32x1024xf32, #tpu.memory_space<vmem_shared>>
    %dma_start3A_282 = tpu.memref_squeeze %dma_start3A_281 : memref<1x32x1024xf32, #tpu.memory_space<vmem_shared>> -> memref<32x1024xf32, #tpu.memory_space<vmem_shared>>
    tpu.enqueue_dma source(%dma_start3A_282 : memref<32x1024xf32, #tpu.memory_space<vmem_shared>>) target(%dma_start3A_273 : memref<32x1024xf32, #tpu.memory_space<hbm>>) target_semaphore(%dma_start3A_271 : memref<!tpu.dma_semaphore, #tpu.memory_space<semaphore_mem>>)
    %add3A_283 = arith.constant 32 : i32
    %add3A_284 = arith.addi %mul3A_2, %add3A_283 : i32
    %dma_wait3A_285 = arith.constant 1 : i32
    %dma_wait3A_286 = arith.constant 1 : i32
    %dma_wait3A_287 = arith.constant 0 : i32
    %dma_wait3A_288 = arith.constant 0 : i32
    %dma_wait3A_289 = tpu.memref_slice %arg4[%dma_wait3A_285, %dma_wait3A_287, %dma_wait3A_288] : memref<2x32x1024xf32, #tpu.memory_space<vmem>> -> memref<1x32x1024xf32, #tpu.memory_space<vmem>>
    %dma_wait3A_290 = tpu.memref_squeeze %dma_wait3A_289 : memref<1x32x1024xf32, #tpu.memory_space<vmem>> -> memref<32x1024xf32, #tpu.memory_space<vmem>>
    %dma_wait3A_291 = arith.constant 0 : i32
    %dma_wait3A_292 = tpu.memref_slice %arg3[%add3A_284, %dma_wait3A_291] : memref<8192x1024xf32, #tpu.memory_space<hbm>> -> memref<32x1024xf32, #tpu.memory_space<hbm>>
    %dma_wait3A_293 = tpu.memref_slice %arg7[%dma_wait3A_286] : memref<2x!tpu.dma_semaphore, #tpu.memory_space<semaphore_mem>> -> memref<1x!tpu.dma_semaphore, #tpu.memory_space<semaphore_mem>>
    %dma_wait3A_294 = tpu.memref_squeeze %dma_wait3A_293 : memref<1x!tpu.dma_semaphore, #tpu.memory_space<semaphore_mem>> -> memref<!tpu.dma_semaphore, #tpu.memory_space<semaphore_mem>>
    %dma_wait3A_295 = arith.constant 0 : i32
    %dma_wait3A_296 = tpu.memref_slice %arg3[%add3A_284, %dma_wait3A_295] : memref<8192x1024xf32, #tpu.memory_space<hbm>> -> memref<32x1024xf32, #tpu.memory_space<hbm>>
    %dma_wait3A_297 = arith.constant 0 : i32
    %dma_wait3A_298 = arith.constant 0 : i32
    %dma_wait3A_299 = tpu.memref_slice %arg4[%dma_wait3A_285, %dma_wait3A_297, %dma_wait3A_298] : memref<2x32x1024xf32, #tpu.memory_space<vmem>> -> memref<1x32x1024xf32, #tpu.memory_space<vmem>>
    %dma_wait3A_300 = tpu.memref_squeeze %dma_wait3A_299 : memref<1x32x1024xf32, #tpu.memory_space<vmem>> -> memref<32x1024xf32, #tpu.memory_space<vmem>>
    tpu.wait_dma2 semaphore(%dma_wait3A_294 : memref<!tpu.dma_semaphore, #tpu.memory_space<semaphore_mem>>) src(%dma_wait3A_300 : memref<32x1024xf32, #tpu.memory_space<vmem>>) dst(%dma_wait3A_296 : memref<32x1024xf32, #tpu.memory_space<hbm>>)
    %add3A_301 = arith.constant 96 : i32
    %add3A_302 = arith.addi %mul3A_2, %add3A_301 : i32
    %dma_start3A_303 = arith.constant 1 : i32
    %dma_start3A_304 = arith.constant 1 : i32
    %dma_start3A_305 = arith.constant 0 : i32
    %dma_start3A_306 = arith.constant 0 : i32
    %dma_start3A_307 = tpu.memref_slice %arg4[%dma_start3A_303, %dma_start3A_305, %dma_start3A_306] : memref<2x32x1024xf32, #tpu.memory_space<vmem>> -> memref<1x32x1024xf32, #tpu.memory_space<vmem>>
    %dma_start3A_308 = tpu.memref_squeeze %dma_start3A_307 : memref<1x32x1024xf32, #tpu.memory_space<vmem>> -> memref<32x1024xf32, #tpu.memory_space<vmem>>
    %dma_start3A_309 = arith.constant 0 : i32
    %dma_start3A_310 = tpu.memref_slice %arg2[%add3A_302, %dma_start3A_309] : memref<8192x1024xf32, #tpu.memory_space<hbm>> -> memref<32x1024xf32, #tpu.memory_space<hbm>>
    %dma_start3A_311 = tpu.memref_slice %arg6[%dma_start3A_304] : memref<2x!tpu.dma_semaphore, #tpu.memory_space<semaphore_mem>> -> memref<1x!tpu.dma_semaphore, #tpu.memory_space<semaphore_mem>>
    %dma_start3A_312 = tpu.memref_squeeze %dma_start3A_311 : memref<1x!tpu.dma_semaphore, #tpu.memory_space<semaphore_mem>> -> memref<!tpu.dma_semaphore, #tpu.memory_space<semaphore_mem>>
    %dma_start3A_313 = arith.constant 0 : i32
    %dma_start3A_314 = arith.constant 0 : i32
    %dma_start3A_315 = tpu.memref_slice %arg4[%dma_start3A_303, %dma_start3A_313, %dma_start3A_314] : memref<2x32x1024xf32, #tpu.memory_space<vmem>> -> memref<1x32x1024xf32, #tpu.memory_space<vmem>>
    %dma_start3A_316 = tpu.memref_squeeze %dma_start3A_315 : memref<1x32x1024xf32, #tpu.memory_space<vmem>> -> memref<32x1024xf32, #tpu.memory_space<vmem>>
    %dma_start3A_317 = arith.constant 0 : i32
    %dma_start3A_318 = tpu.memref_slice %arg2[%add3A_302, %dma_start3A_317] : memref<8192x1024xf32, #tpu.memory_space<hbm>> -> memref<32x1024xf32, #tpu.memory_space<hbm>>
    tpu.enqueue_dma source(%dma_start3A_318 : memref<32x1024xf32, #tpu.memory_space<hbm>>) target(%dma_start3A_316 : memref<32x1024xf32, #tpu.memory_space<vmem>>) target_semaphore(%dma_start3A_312 : memref<!tpu.dma_semaphore, #tpu.memory_space<semaphore_mem>>)
    %add3A_319 = arith.constant 32 : i32
    %add3A_320 = arith.addi %add3A_4, %add3A_319 : i32
    %dma_wait3A_321 = arith.constant 1 : i32
    %dma_wait3A_322 = arith.constant 1 : i32
    %dma_wait3A_323 = tpu.memref_slice %arg9[%dma_wait3A_322] : memref<2x!tpu.dma_semaphore, #tpu.memory_space<semaphore_mem>> -> memref<1x!tpu.dma_semaphore, #tpu.memory_space<semaphore_mem>>
    %dma_wait3A_324 = tpu.memref_squeeze %dma_wait3A_323 : memref<1x!tpu.dma_semaphore, #tpu.memory_space<semaphore_mem>> -> memref<!tpu.dma_semaphore, #tpu.memory_space<semaphore_mem>>
    %dma_wait3A_325 = arith.constant 0 : i32
    %dma_wait3A_326 = tpu.memref_slice %arg3[%add3A_320, %dma_wait3A_325] : memref<8192x1024xf32, #tpu.memory_space<hbm>> -> memref<32x1024xf32, #tpu.memory_space<hbm>>
    %dma_wait3A_327 = arith.constant 0 : i32
    %dma_wait3A_328 = arith.constant 0 : i32
    %dma_wait3A_329 = arith.constant 0 : i32
    %dma_wait3A_330 = tpu.memref_slice %arg5[%arg1, %dma_wait3A_327, %dma_wait3A_328, %dma_wait3A_329] : memref<16x2x32x1024xf32, #tpu.memory_space<vmem_shared>> -> memref<1x2x32x1024xf32, #tpu.memory_space<vmem_shared>>
    %dma_wait3A_331 = tpu.memref_squeeze %dma_wait3A_330 : memref<1x2x32x1024xf32, #tpu.memory_space<vmem_shared>> -> memref<2x32x1024xf32, #tpu.memory_space<vmem_shared>>
    %dma_wait3A_332 = arith.constant 0 : i32
    %dma_wait3A_333 = arith.constant 0 : i32
    %dma_wait3A_334 = tpu.memref_slice %dma_wait3A_331[%dma_wait3A_321, %dma_wait3A_332, %dma_wait3A_333] : memref<2x32x1024xf32, #tpu.memory_space<vmem_shared>> -> memref<1x32x1024xf32, #tpu.memory_space<vmem_shared>>
    %dma_wait3A_335 = tpu.memref_squeeze %dma_wait3A_334 : memref<1x32x1024xf32, #tpu.memory_space<vmem_shared>> -> memref<32x1024xf32, #tpu.memory_space<vmem_shared>>
    tpu.wait_dma2 semaphore(%dma_wait3A_324 : memref<!tpu.dma_semaphore, #tpu.memory_space<semaphore_mem>>) src(%dma_wait3A_335 : memref<32x1024xf32, #tpu.memory_space<vmem_shared>>) dst(%dma_wait3A_326 : memref<32x1024xf32, #tpu.memory_space<hbm>>)
    %add3A_336 = arith.constant 96 : i32
    %add3A_337 = arith.addi %add3A_4, %add3A_336 : i32
    %dma_start3A_338 = arith.constant 1 : i32
    %dma_start3A_339 = arith.constant 1 : i32
    %dma_start3A_340 = tpu.memref_slice %arg8[%dma_start3A_339] : memref<2x!tpu.dma_semaphore, #tpu.memory_space<semaphore_mem>> -> memref<1x!tpu.dma_semaphore, #tpu.memory_space<semaphore_mem>>
    %dma_start3A_341 = tpu.memref_squeeze %dma_start3A_340 : memref<1x!tpu.dma_semaphore, #tpu.memory_space<semaphore_mem>> -> memref<!tpu.dma_semaphore, #tpu.memory_space<semaphore_mem>>
    %dma_start3A_342 = arith.constant 0 : i32
    %dma_start3A_343 = arith.constant 0 : i32
    %dma_start3A_344 = arith.constant 0 : i32
    %dma_start3A_345 = tpu.memref_slice %arg5[%arg1, %dma_start3A_342, %dma_start3A_343, %dma_start3A_344] : memref<16x2x32x1024xf32, #tpu.memory_space<vmem_shared>> -> memref<1x2x32x1024xf32, #tpu.memory_space<vmem_shared>>
    %dma_start3A_346 = tpu.memref_squeeze %dma_start3A_345 : memref<1x2x32x1024xf32, #tpu.memory_space<vmem_shared>> -> memref<2x32x1024xf32, #tpu.memory_space<vmem_shared>>
    %dma_start3A_347 = arith.constant 0 : i32
    %dma_start3A_348 = arith.constant 0 : i32
    %dma_start3A_349 = tpu.memref_slice %dma_start3A_346[%dma_start3A_338, %dma_start3A_347, %dma_start3A_348] : memref<2x32x1024xf32, #tpu.memory_space<vmem_shared>> -> memref<1x32x1024xf32, #tpu.memory_space<vmem_shared>>
    %dma_start3A_350 = tpu.memref_squeeze %dma_start3A_349 : memref<1x32x1024xf32, #tpu.memory_space<vmem_shared>> -> memref<32x1024xf32, #tpu.memory_space<vmem_shared>>
    %dma_start3A_351 = arith.constant 0 : i32
    %dma_start3A_352 = tpu.memref_slice %arg2[%add3A_337, %dma_start3A_351] : memref<8192x1024xf32, #tpu.memory_space<hbm>> -> memref<32x1024xf32, #tpu.memory_space<hbm>>
    tpu.enqueue_dma source(%dma_start3A_352 : memref<32x1024xf32, #tpu.memory_space<hbm>>) target(%dma_start3A_350 : memref<32x1024xf32, #tpu.memory_space<vmem_shared>>) target_semaphore(%dma_start3A_341 : memref<!tpu.dma_semaphore, #tpu.memory_space<semaphore_mem>>)
    %add3A_353 = arith.constant 64 : i32
    %add3A_354 = arith.addi %mul3A_2, %add3A_353 : i32
    %dma_wait3A_355 = arith.constant 0 : i32
    %dma_wait3A_356 = arith.constant 0 : i32
    %dma_wait3A_357 = arith.constant 0 : i32
    %dma_wait3A_358 = arith.constant 0 : i32
    %dma_wait3A_359 = tpu.memref_slice %arg4[%dma_wait3A_355, %dma_wait3A_357, %dma_wait3A_358] : memref<2x32x1024xf32, #tpu.memory_space<vmem>> -> memref<1x32x1024xf32, #tpu.memory_space<vmem>>
    %dma_wait3A_360 = tpu.memref_squeeze %dma_wait3A_359 : memref<1x32x1024xf32, #tpu.memory_space<vmem>> -> memref<32x1024xf32, #tpu.memory_space<vmem>>
    %dma_wait3A_361 = arith.constant 0 : i32
    %dma_wait3A_362 = tpu.memref_slice %arg2[%add3A_354, %dma_wait3A_361] : memref<8192x1024xf32, #tpu.memory_space<hbm>> -> memref<32x1024xf32, #tpu.memory_space<hbm>>
    %dma_wait3A_363 = tpu.memref_slice %arg6[%dma_wait3A_356] : memref<2x!tpu.dma_semaphore, #tpu.memory_space<semaphore_mem>> -> memref<1x!tpu.dma_semaphore, #tpu.memory_space<semaphore_mem>>
    %dma_wait3A_364 = tpu.memref_squeeze %dma_wait3A_363 : memref<1x!tpu.dma_semaphore, #tpu.memory_space<semaphore_mem>> -> memref<!tpu.dma_semaphore, #tpu.memory_space<semaphore_mem>>
    %dma_wait3A_365 = arith.constant 0 : i32
    %dma_wait3A_366 = arith.constant 0 : i32
    %dma_wait3A_367 = tpu.memref_slice %arg4[%dma_wait3A_355, %dma_wait3A_365, %dma_wait3A_366] : memref<2x32x1024xf32, #tpu.memory_space<vmem>> -> memref<1x32x1024xf32, #tpu.memory_space<vmem>>
    %dma_wait3A_368 = tpu.memref_squeeze %dma_wait3A_367 : memref<1x32x1024xf32, #tpu.memory_space<vmem>> -> memref<32x1024xf32, #tpu.memory_space<vmem>>
    %dma_wait3A_369 = arith.constant 0 : i32
    %dma_wait3A_370 = tpu.memref_slice %arg2[%add3A_354, %dma_wait3A_369] : memref<8192x1024xf32, #tpu.memory_space<hbm>> -> memref<32x1024xf32, #tpu.memory_space<hbm>>
    tpu.wait_dma2 semaphore(%dma_wait3A_364 : memref<!tpu.dma_semaphore, #tpu.memory_space<semaphore_mem>>) src(%dma_wait3A_370 : memref<32x1024xf32, #tpu.memory_space<hbm>>) dst(%dma_wait3A_368 : memref<32x1024xf32, #tpu.memory_space<vmem>>)
    %add3A_371 = arith.constant 64 : i32
    %add3A_372 = arith.addi %mul3A_2, %add3A_371 : i32
    %dma_start3A_373 = arith.constant 0 : i32
    %dma_start3A_374 = arith.constant 0 : i32
    %dma_start3A_375 = arith.constant 0 : i32
    %dma_start3A_376 = arith.constant 0 : i32
    %dma_start3A_377 = tpu.memref_slice %arg4[%dma_start3A_373, %dma_start3A_375, %dma_start3A_376] : memref<2x32x1024xf32, #tpu.memory_space<vmem>> -> memref<1x32x1024xf32, #tpu.memory_space<vmem>>
    %dma_start3A_378 = tpu.memref_squeeze %dma_start3A_377 : memref<1x32x1024xf32, #tpu.memory_space<vmem>> -> memref<32x1024xf32, #tpu.memory_space<vmem>>
    %dma_start3A_379 = arith.constant 0 : i32
    %dma_start3A_380 = tpu.memref_slice %arg3[%add3A_372, %dma_start3A_379] : memref<8192x1024xf32, #tpu.memory_space<hbm>> -> memref<32x1024xf32, #tpu.memory_space<hbm>>
    %dma_start3A_381 = tpu.memref_slice %arg7[%dma_start3A_374] : memref<2x!tpu.dma_semaphore, #tpu.memory_space<semaphore_mem>> -> memref<1x!tpu.dma_semaphore, #tpu.memory_space<semaphore_mem>>
    %dma_start3A_382 = tpu.memref_squeeze %dma_start3A_381 : memref<1x!tpu.dma_semaphore, #tpu.memory_space<semaphore_mem>> -> memref<!tpu.dma_semaphore, #tpu.memory_space<semaphore_mem>>
    %dma_start3A_383 = arith.constant 0 : i32
    %dma_start3A_384 = tpu.memref_slice %arg3[%add3A_372, %dma_start3A_383] : memref<8192x1024xf32, #tpu.memory_space<hbm>> -> memref<32x1024xf32, #tpu.memory_space<hbm>>
    %dma_start3A_385 = arith.constant 0 : i32
    %dma_start3A_386 = arith.constant 0 : i32
    %dma_start3A_387 = tpu.memref_slice %arg4[%dma_start3A_373, %dma_start3A_385, %dma_start3A_386] : memref<2x32x1024xf32, #tpu.memory_space<vmem>> -> memref<1x32x1024xf32, #tpu.memory_space<vmem>>
    %dma_start3A_388 = tpu.memref_squeeze %dma_start3A_387 : memref<1x32x1024xf32, #tpu.memory_space<vmem>> -> memref<32x1024xf32, #tpu.memory_space<vmem>>
    tpu.enqueue_dma source(%dma_start3A_388 : memref<32x1024xf32, #tpu.memory_space<vmem>>) target(%dma_start3A_384 : memref<32x1024xf32, #tpu.memory_space<hbm>>) target_semaphore(%dma_start3A_382 : memref<!tpu.dma_semaphore, #tpu.memory_space<semaphore_mem>>)
    %add3A_389 = arith.constant 64 : i32
    %add3A_390 = arith.addi %add3A_4, %add3A_389 : i32
    %dma_wait3A_391 = arith.constant 0 : i32
    %dma_wait3A_392 = arith.constant 0 : i32
    %dma_wait3A_393 = tpu.memref_slice %arg8[%dma_wait3A_392] : memref<2x!tpu.dma_semaphore, #tpu.memory_space<semaphore_mem>> -> memref<1x!tpu.dma_semaphore, #tpu.memory_space<semaphore_mem>>
    %dma_wait3A_394 = tpu.memref_squeeze %dma_wait3A_393 : memref<1x!tpu.dma_semaphore, #tpu.memory_space<semaphore_mem>> -> memref<!tpu.dma_semaphore, #tpu.memory_space<semaphore_mem>>
    %dma_wait3A_395 = arith.constant 0 : i32
    %dma_wait3A_396 = arith.constant 0 : i32
    %dma_wait3A_397 = arith.constant 0 : i32
    %dma_wait3A_398 = tpu.memref_slice %arg5[%arg1, %dma_wait3A_395, %dma_wait3A_396, %dma_wait3A_397] : memref<16x2x32x1024xf32, #tpu.memory_space<vmem_shared>> -> memref<1x2x32x1024xf32, #tpu.memory_space<vmem_shared>>
    %dma_wait3A_399 = tpu.memref_squeeze %dma_wait3A_398 : memref<1x2x32x1024xf32, #tpu.memory_space<vmem_shared>> -> memref<2x32x1024xf32, #tpu.memory_space<vmem_shared>>
    %dma_wait3A_400 = arith.constant 0 : i32
    %dma_wait3A_401 = arith.constant 0 : i32
    %dma_wait3A_402 = tpu.memref_slice %dma_wait3A_399[%dma_wait3A_391, %dma_wait3A_400, %dma_wait3A_401] : memref<2x32x1024xf32, #tpu.memory_space<vmem_shared>> -> memref<1x32x1024xf32, #tpu.memory_space<vmem_shared>>
    %dma_wait3A_403 = tpu.memref_squeeze %dma_wait3A_402 : memref<1x32x1024xf32, #tpu.memory_space<vmem_shared>> -> memref<32x1024xf32, #tpu.memory_space<vmem_shared>>
    %dma_wait3A_404 = arith.constant 0 : i32
    %dma_wait3A_405 = tpu.memref_slice %arg2[%add3A_390, %dma_wait3A_404] : memref<8192x1024xf32, #tpu.memory_space<hbm>> -> memref<32x1024xf32, #tpu.memory_space<hbm>>
    tpu.wait_dma2 semaphore(%dma_wait3A_394 : memref<!tpu.dma_semaphore, #tpu.memory_space<semaphore_mem>>) src(%dma_wait3A_405 : memref<32x1024xf32, #tpu.memory_space<hbm>>) dst(%dma_wait3A_403 : memref<32x1024xf32, #tpu.memory_space<vmem_shared>>)
    %add3A_406 = arith.constant 64 : i32
    %add3A_407 = arith.addi %add3A_4, %add3A_406 : i32
    %dma_start3A_408 = arith.constant 0 : i32
    %dma_start3A_409 = arith.constant 0 : i32
    %dma_start3A_410 = tpu.memref_slice %arg9[%dma_start3A_409] : memref<2x!tpu.dma_semaphore, #tpu.memory_space<semaphore_mem>> -> memref<1x!tpu.dma_semaphore, #tpu.memory_space<semaphore_mem>>
    %dma_start3A_411 = tpu.memref_squeeze %dma_start3A_410 : memref<1x!tpu.dma_semaphore, #tpu.memory_space<semaphore_mem>> -> memref<!tpu.dma_semaphore, #tpu.memory_space<semaphore_mem>>
    %dma_start3A_412 = arith.constant 0 : i32
    %dma_start3A_413 = tpu.memref_slice %arg3[%add3A_407, %dma_start3A_412] : memref<8192x1024xf32, #tpu.memory_space<hbm>> -> memref<32x1024xf32, #tpu.memory_space<hbm>>
    %dma_start3A_414 = arith.constant 0 : i32
    %dma_start3A_415 = arith.constant 0 : i32
    %dma_start3A_416 = arith.constant 0 : i32
    %dma_start3A_417 = tpu.memref_slice %arg5[%arg1, %dma_start3A_414, %dma_start3A_415, %dma_start3A_416] : memref<16x2x32x1024xf32, #tpu.memory_space<vmem_shared>> -> memref<1x2x32x1024xf32, #tpu.memory_space<vmem_shared>>
    %dma_start3A_418 = tpu.memref_squeeze %dma_start3A_417 : memref<1x2x32x1024xf32, #tpu.memory_space<vmem_shared>> -> memref<2x32x1024xf32, #tpu.memory_space<vmem_shared>>
    %dma_start3A_419 = arith.constant 0 : i32
    %dma_start3A_420 = arith.constant 0 : i32
    %dma_start3A_421 = tpu.memref_slice %dma_start3A_418[%dma_start3A_408, %dma_start3A_419, %dma_start3A_420] : memref<2x32x1024xf32, #tpu.memory_space<vmem_shared>> -> memref<1x32x1024xf32, #tpu.memory_space<vmem_shared>>
    %dma_start3A_422 = tpu.memref_squeeze %dma_start3A_421 : memref<1x32x1024xf32, #tpu.memory_space<vmem_shared>> -> memref<32x1024xf32, #tpu.memory_space<vmem_shared>>
    tpu.enqueue_dma source(%dma_start3A_422 : memref<32x1024xf32, #tpu.memory_space<vmem_shared>>) target(%dma_start3A_413 : memref<32x1024xf32, #tpu.memory_space<hbm>>) target_semaphore(%dma_start3A_411 : memref<!tpu.dma_semaphore, #tpu.memory_space<semaphore_mem>>)
    %add3A_423 = arith.constant 96 : i32
    %add3A_424 = arith.addi %mul3A_2, %add3A_423 : i32
    %dma_wait3A_425 = arith.constant 1 : i32
    %dma_wait3A_426 = arith.constant 1 : i32
    %dma_wait3A_427 = arith.constant 0 : i32
    %dma_wait3A_428 = arith.constant 0 : i32
    %dma_wait3A_429 = tpu.memref_slice %arg4[%dma_wait3A_425, %dma_wait3A_427, %dma_wait3A_428] : memref<2x32x1024xf32, #tpu.memory_space<vmem>> -> memref<1x32x1024xf32, #tpu.memory_space<vmem>>
    %dma_wait3A_430 = tpu.memref_squeeze %dma_wait3A_429 : memref<1x32x1024xf32, #tpu.memory_space<vmem>> -> memref<32x1024xf32, #tpu.memory_space<vmem>>
    %dma_wait3A_431 = arith.constant 0 : i32
    %dma_wait3A_432 = tpu.memref_slice %arg2[%add3A_424, %dma_wait3A_431] : memref<8192x1024xf32, #tpu.memory_space<hbm>> -> memref<32x1024xf32, #tpu.memory_space<hbm>>
    %dma_wait3A_433 = tpu.memref_slice %arg6[%dma_wait3A_426] : memref<2x!tpu.dma_semaphore, #tpu.memory_space<semaphore_mem>> -> memref<1x!tpu.dma_semaphore, #tpu.memory_space<semaphore_mem>>
    %dma_wait3A_434 = tpu.memref_squeeze %dma_wait3A_433 : memref<1x!tpu.dma_semaphore, #tpu.memory_space<semaphore_mem>> -> memref<!tpu.dma_semaphore, #tpu.memory_space<semaphore_mem>>
    %dma_wait3A_435 = arith.constant 0 : i32
    %dma_wait3A_436 = arith.constant 0 : i32
    %dma_wait3A_437 = tpu.memref_slice %arg4[%dma_wait3A_425, %dma_wait3A_435, %dma_wait3A_436] : memref<2x32x1024xf32, #tpu.memory_space<vmem>> -> memref<1x32x1024xf32, #tpu.memory_space<vmem>>
    %dma_wait3A_438 = tpu.memref_squeeze %dma_wait3A_437 : memref<1x32x1024xf32, #tpu.memory_space<vmem>> -> memref<32x1024xf32, #tpu.memory_space<vmem>>
    %dma_wait3A_439 = arith.constant 0 : i32
    %dma_wait3A_440 = tpu.memref_slice %arg2[%add3A_424, %dma_wait3A_439] : memref<8192x1024xf32, #tpu.memory_space<hbm>> -> memref<32x1024xf32, #tpu.memory_space<hbm>>
    tpu.wait_dma2 semaphore(%dma_wait3A_434 : memref<!tpu.dma_semaphore, #tpu.memory_space<semaphore_mem>>) src(%dma_wait3A_440 : memref<32x1024xf32, #tpu.memory_space<hbm>>) dst(%dma_wait3A_438 : memref<32x1024xf32, #tpu.memory_space<vmem>>)
    %add3A_441 = arith.constant 96 : i32
    %add3A_442 = arith.addi %mul3A_2, %add3A_441 : i32
    %dma_start3A_443 = arith.constant 1 : i32
    %dma_start3A_444 = arith.constant 1 : i32
    %dma_start3A_445 = arith.constant 0 : i32
    %dma_start3A_446 = arith.constant 0 : i32
    %dma_start3A_447 = tpu.memref_slice %arg4[%dma_start3A_443, %dma_start3A_445, %dma_start3A_446] : memref<2x32x1024xf32, #tpu.memory_space<vmem>> -> memref<1x32x1024xf32, #tpu.memory_space<vmem>>
    %dma_start3A_448 = tpu.memref_squeeze %dma_start3A_447 : memref<1x32x1024xf32, #tpu.memory_space<vmem>> -> memref<32x1024xf32, #tpu.memory_space<vmem>>
    %dma_start3A_449 = arith.constant 0 : i32
    %dma_start3A_450 = tpu.memref_slice %arg3[%add3A_442, %dma_start3A_449] : memref<8192x1024xf32, #tpu.memory_space<hbm>> -> memref<32x1024xf32, #tpu.memory_space<hbm>>
    %dma_start3A_451 = tpu.memref_slice %arg7[%dma_start3A_444] : memref<2x!tpu.dma_semaphore, #tpu.memory_space<semaphore_mem>> -> memref<1x!tpu.dma_semaphore, #tpu.memory_space<semaphore_mem>>
    %dma_start3A_452 = tpu.memref_squeeze %dma_start3A_451 : memref<1x!tpu.dma_semaphore, #tpu.memory_space<semaphore_mem>> -> memref<!tpu.dma_semaphore, #tpu.memory_space<semaphore_mem>>
    %dma_start3A_453 = arith.constant 0 : i32
    %dma_start3A_454 = tpu.memref_slice %arg3[%add3A_442, %dma_start3A_453] : memref<8192x1024xf32, #tpu.memory_space<hbm>> -> memref<32x1024xf32, #tpu.memory_space<hbm>>
    %dma_start3A_455 = arith.constant 0 : i32
    %dma_start3A_456 = arith.constant 0 : i32
    %dma_start3A_457 = tpu.memref_slice %arg4[%dma_start3A_443, %dma_start3A_455, %dma_start3A_456] : memref<2x32x1024xf32, #tpu.memory_space<vmem>> -> memref<1x32x1024xf32, #tpu.memory_space<vmem>>
    %dma_start3A_458 = tpu.memref_squeeze %dma_start3A_457 : memref<1x32x1024xf32, #tpu.memory_space<vmem>> -> memref<32x1024xf32, #tpu.memory_space<vmem>>
    tpu.enqueue_dma source(%dma_start3A_458 : memref<32x1024xf32, #tpu.memory_space<vmem>>) target(%dma_start3A_454 : memref<32x1024xf32, #tpu.memory_space<hbm>>) target_semaphore(%dma_start3A_452 : memref<!tpu.dma_semaphore, #tpu.memory_space<semaphore_mem>>)
    %add3A_459 = arith.constant 96 : i32
    %add3A_460 = arith.addi %add3A_4, %add3A_459 : i32
    %dma_wait3A_461 = arith.constant 1 : i32
    %dma_wait3A_462 = arith.constant 1 : i32
    %dma_wait3A_463 = tpu.memref_slice %arg8[%dma_wait3A_462] : memref<2x!tpu.dma_semaphore, #tpu.memory_space<semaphore_mem>> -> memref<1x!tpu.dma_semaphore, #tpu.memory_space<semaphore_mem>>
    %dma_wait3A_464 = tpu.memref_squeeze %dma_wait3A_463 : memref<1x!tpu.dma_semaphore, #tpu.memory_space<semaphore_mem>> -> memref<!tpu.dma_semaphore, #tpu.memory_space<semaphore_mem>>
    %dma_wait3A_465 = arith.constant 0 : i32
    %dma_wait3A_466 = arith.constant 0 : i32
    %dma_wait3A_467 = arith.constant 0 : i32
    %dma_wait3A_468 = tpu.memref_slice %arg5[%arg1, %dma_wait3A_465, %dma_wait3A_466, %dma_wait3A_467] : memref<16x2x32x1024xf32, #tpu.memory_space<vmem_shared>> -> memref<1x2x32x1024xf32, #tpu.memory_space<vmem_shared>>
    %dma_wait3A_469 = tpu.memref_squeeze %dma_wait3A_468 : memref<1x2x32x1024xf32, #tpu.memory_space<vmem_shared>> -> memref<2x32x1024xf32, #tpu.memory_space<vmem_shared>>
    %dma_wait3A_470 = arith.constant 0 : i32
    %dma_wait3A_471 = arith.constant 0 : i32
    %dma_wait3A_472 = tpu.memref_slice %dma_wait3A_469[%dma_wait3A_461, %dma_wait3A_470, %dma_wait3A_471] : memref<2x32x1024xf32, #tpu.memory_space<vmem_shared>> -> memref<1x32x1024xf32, #tpu.memory_space<vmem_shared>>
    %dma_wait3A_473 = tpu.memref_squeeze %dma_wait3A_472 : memref<1x32x1024xf32, #tpu.memory_space<vmem_shared>> -> memref<32x1024xf32, #tpu.memory_space<vmem_shared>>
    %dma_wait3A_474 = arith.constant 0 : i32
    %dma_wait3A_475 = tpu.memref_slice %arg2[%add3A_460, %dma_wait3A_474] : memref<8192x1024xf32, #tpu.memory_space<hbm>> -> memref<32x1024xf32, #tpu.memory_space<hbm>>
    tpu.wait_dma2 semaphore(%dma_wait3A_464 : memref<!tpu.dma_semaphore, #tpu.memory_space<semaphore_mem>>) src(%dma_wait3A_475 : memref<32x1024xf32, #tpu.memory_space<hbm>>) dst(%dma_wait3A_473 : memref<32x1024xf32, #tpu.memory_space<vmem_shared>>)
    %add3A_476 = arith.constant 96 : i32
    %add3A_477 = arith.addi %add3A_4, %add3A_476 : i32
    %dma_start3A_478 = arith.constant 1 : i32
    %dma_start3A_479 = arith.constant 1 : i32
    %dma_start3A_480 = tpu.memref_slice %arg9[%dma_start3A_479] : memref<2x!tpu.dma_semaphore, #tpu.memory_space<semaphore_mem>> -> memref<1x!tpu.dma_semaphore, #tpu.memory_space<semaphore_mem>>
    %dma_start3A_481 = tpu.memref_squeeze %dma_start3A_480 : memref<1x!tpu.dma_semaphore, #tpu.memory_space<semaphore_mem>> -> memref<!tpu.dma_semaphore, #tpu.memory_space<semaphore_mem>>
    %dma_start3A_482 = arith.constant 0 : i32
    %dma_start3A_483 = tpu.memref_slice %arg3[%add3A_477, %dma_start3A_482] : memref<8192x1024xf32, #tpu.memory_space<hbm>> -> memref<32x1024xf32, #tpu.memory_space<hbm>>
    %dma_start3A_484 = arith.constant 0 : i32
    %dma_start3A_485 = arith.constant 0 : i32
    %dma_start3A_486 = arith.constant 0 : i32
    %dma_start3A_487 = tpu.memref_slice %arg5[%arg1, %dma_start3A_484, %dma_start3A_485, %dma_start3A_486] : memref<16x2x32x1024xf32, #tpu.memory_space<vmem_shared>> -> memref<1x2x32x1024xf32, #tpu.memory_space<vmem_shared>>
    %dma_start3A_488 = tpu.memref_squeeze %dma_start3A_487 : memref<1x2x32x1024xf32, #tpu.memory_space<vmem_shared>> -> memref<2x32x1024xf32, #tpu.memory_space<vmem_shared>>
    %dma_start3A_489 = arith.constant 0 : i32
    %dma_start3A_490 = arith.constant 0 : i32
    %dma_start3A_491 = tpu.memref_slice %dma_start3A_488[%dma_start3A_478, %dma_start3A_489, %dma_start3A_490] : memref<2x32x1024xf32, #tpu.memory_space<vmem_shared>> -> memref<1x32x1024xf32, #tpu.memory_space<vmem_shared>>
    %dma_start3A_492 = tpu.memref_squeeze %dma_start3A_491 : memref<1x32x1024xf32, #tpu.memory_space<vmem_shared>> -> memref<32x1024xf32, #tpu.memory_space<vmem_shared>>
    tpu.enqueue_dma source(%dma_start3A_492 : memref<32x1024xf32, #tpu.memory_space<vmem_shared>>) target(%dma_start3A_483 : memref<32x1024xf32, #tpu.memory_space<hbm>>) target_semaphore(%dma_start3A_481 : memref<!tpu.dma_semaphore, #tpu.memory_space<semaphore_mem>>)
    %add3A_493 = arith.constant 64 : i32
    %add3A_494 = arith.addi %mul3A_2, %add3A_493 : i32
    %dma_wait3A_495 = arith.constant 0 : i32
    %dma_wait3A_496 = arith.constant 0 : i32
    %dma_wait3A_497 = arith.constant 0 : i32
    %dma_wait3A_498 = arith.constant 0 : i32
    %dma_wait3A_499 = tpu.memref_slice %arg4[%dma_wait3A_495, %dma_wait3A_497, %dma_wait3A_498] : memref<2x32x1024xf32, #tpu.memory_space<vmem>> -> memref<1x32x1024xf32, #tpu.memory_space<vmem>>
    %dma_wait3A_500 = tpu.memref_squeeze %dma_wait3A_499 : memref<1x32x1024xf32, #tpu.memory_space<vmem>> -> memref<32x1024xf32, #tpu.memory_space<vmem>>
    %dma_wait3A_501 = arith.constant 0 : i32
    %dma_wait3A_502 = tpu.memref_slice %arg3[%add3A_494, %dma_wait3A_501] : memref<8192x1024xf32, #tpu.memory_space<hbm>> -> memref<32x1024xf32, #tpu.memory_space<hbm>>
    %dma_wait3A_503 = tpu.memref_slice %arg7[%dma_wait3A_496] : memref<2x!tpu.dma_semaphore, #tpu.memory_space<semaphore_mem>> -> memref<1x!tpu.dma_semaphore, #tpu.memory_space<semaphore_mem>>
    %dma_wait3A_504 = tpu.memref_squeeze %dma_wait3A_503 : memref<1x!tpu.dma_semaphore, #tpu.memory_space<semaphore_mem>> -> memref<!tpu.dma_semaphore, #tpu.memory_space<semaphore_mem>>
    %dma_wait3A_505 = arith.constant 0 : i32
    %dma_wait3A_506 = tpu.memref_slice %arg3[%add3A_494, %dma_wait3A_505] : memref<8192x1024xf32, #tpu.memory_space<hbm>> -> memref<32x1024xf32, #tpu.memory_space<hbm>>
    %dma_wait3A_507 = arith.constant 0 : i32
    %dma_wait3A_508 = arith.constant 0 : i32
    %dma_wait3A_509 = tpu.memref_slice %arg4[%dma_wait3A_495, %dma_wait3A_507, %dma_wait3A_508] : memref<2x32x1024xf32, #tpu.memory_space<vmem>> -> memref<1x32x1024xf32, #tpu.memory_space<vmem>>
    %dma_wait3A_510 = tpu.memref_squeeze %dma_wait3A_509 : memref<1x32x1024xf32, #tpu.memory_space<vmem>> -> memref<32x1024xf32, #tpu.memory_space<vmem>>
    tpu.wait_dma2 semaphore(%dma_wait3A_504 : memref<!tpu.dma_semaphore, #tpu.memory_space<semaphore_mem>>) src(%dma_wait3A_510 : memref<32x1024xf32, #tpu.memory_space<vmem>>) dst(%dma_wait3A_506 : memref<32x1024xf32, #tpu.memory_space<hbm>>)
    %add3A_511 = arith.constant 64 : i32
    %add3A_512 = arith.addi %add3A_4, %add3A_511 : i32
    %dma_wait3A_513 = arith.constant 0 : i32
    %dma_wait3A_514 = arith.constant 0 : i32
    %dma_wait3A_515 = tpu.memref_slice %arg9[%dma_wait3A_514] : memref<2x!tpu.dma_semaphore, #tpu.memory_space<semaphore_mem>> -> memref<1x!tpu.dma_semaphore, #tpu.memory_space<semaphore_mem>>
    %dma_wait3A_516 = tpu.memref_squeeze %dma_wait3A_515 : memref<1x!tpu.dma_semaphore, #tpu.memory_space<semaphore_mem>> -> memref<!tpu.dma_semaphore, #tpu.memory_space<semaphore_mem>>
    %dma_wait3A_517 = arith.constant 0 : i32
    %dma_wait3A_518 = tpu.memref_slice %arg3[%add3A_512, %dma_wait3A_517] : memref<8192x1024xf32, #tpu.memory_space<hbm>> -> memref<32x1024xf32, #tpu.memory_space<hbm>>
    %dma_wait3A_519 = arith.constant 0 : i32
    %dma_wait3A_520 = arith.constant 0 : i32
    %dma_wait3A_521 = arith.constant 0 : i32
    %dma_wait3A_522 = tpu.memref_slice %arg5[%arg1, %dma_wait3A_519, %dma_wait3A_520, %dma_wait3A_521] : memref<16x2x32x1024xf32, #tpu.memory_space<vmem_shared>> -> memref<1x2x32x1024xf32, #tpu.memory_space<vmem_shared>>
    %dma_wait3A_523 = tpu.memref_squeeze %dma_wait3A_522 : memref<1x2x32x1024xf32, #tpu.memory_space<vmem_shared>> -> memref<2x32x1024xf32, #tpu.memory_space<vmem_shared>>
    %dma_wait3A_524 = arith.constant 0 : i32
    %dma_wait3A_525 = arith.constant 0 : i32
    %dma_wait3A_526 = tpu.memref_slice %dma_wait3A_523[%dma_wait3A_513, %dma_wait3A_524, %dma_wait3A_525] : memref<2x32x1024xf32, #tpu.memory_space<vmem_shared>> -> memref<1x32x1024xf32, #tpu.memory_space<vmem_shared>>
    %dma_wait3A_527 = tpu.memref_squeeze %dma_wait3A_526 : memref<1x32x1024xf32, #tpu.memory_space<vmem_shared>> -> memref<32x1024xf32, #tpu.memory_space<vmem_shared>>
    tpu.wait_dma2 semaphore(%dma_wait3A_516 : memref<!tpu.dma_semaphore, #tpu.memory_space<semaphore_mem>>) src(%dma_wait3A_527 : memref<32x1024xf32, #tpu.memory_space<vmem_shared>>) dst(%dma_wait3A_518 : memref<32x1024xf32, #tpu.memory_space<hbm>>)
    %add3A_528 = arith.constant 96 : i32
    %add3A_529 = arith.addi %mul3A_2, %add3A_528 : i32
    %dma_wait3A_530 = arith.constant 1 : i32
    %dma_wait3A_531 = arith.constant 1 : i32
    %dma_wait3A_532 = arith.constant 0 : i32
    %dma_wait3A_533 = arith.constant 0 : i32
    %dma_wait3A_534 = tpu.memref_slice %arg4[%dma_wait3A_530, %dma_wait3A_532, %dma_wait3A_533] : memref<2x32x1024xf32, #tpu.memory_space<vmem>> -> memref<1x32x1024xf32, #tpu.memory_space<vmem>>
    %dma_wait3A_535 = tpu.memref_squeeze %dma_wait3A_534 : memref<1x32x1024xf32, #tpu.memory_space<vmem>> -> memref<32x1024xf32, #tpu.memory_space<vmem>>
    %dma_wait3A_536 = arith.constant 0 : i32
    %dma_wait3A_537 = tpu.memref_slice %arg3[%add3A_529, %dma_wait3A_536] : memref<8192x1024xf32, #tpu.memory_space<hbm>> -> memref<32x1024xf32, #tpu.memory_space<hbm>>
    %dma_wait3A_538 = tpu.memref_slice %arg7[%dma_wait3A_531] : memref<2x!tpu.dma_semaphore, #tpu.memory_space<semaphore_mem>> -> memref<1x!tpu.dma_semaphore, #tpu.memory_space<semaphore_mem>>
    %dma_wait3A_539 = tpu.memref_squeeze %dma_wait3A_538 : memref<1x!tpu.dma_semaphore, #tpu.memory_space<semaphore_mem>> -> memref<!tpu.dma_semaphore, #tpu.memory_space<semaphore_mem>>
    %dma_wait3A_540 = arith.constant 0 : i32
    %dma_wait3A_541 = tpu.memref_slice %arg3[%add3A_529, %dma_wait3A_540] : memref<8192x1024xf32, #tpu.memory_space<hbm>> -> memref<32x1024xf32, #tpu.memory_space<hbm>>
    %dma_wait3A_542 = arith.constant 0 : i32
    %dma_wait3A_543 = arith.constant 0 : i32
    %dma_wait3A_544 = tpu.memref_slice %arg4[%dma_wait3A_530, %dma_wait3A_542, %dma_wait3A_543] : memref<2x32x1024xf32, #tpu.memory_space<vmem>> -> memref<1x32x1024xf32, #tpu.memory_space<vmem>>
    %dma_wait3A_545 = tpu.memref_squeeze %dma_wait3A_544 : memref<1x32x1024xf32, #tpu.memory_space<vmem>> -> memref<32x1024xf32, #tpu.memory_space<vmem>>
    tpu.wait_dma2 semaphore(%dma_wait3A_539 : memref<!tpu.dma_semaphore, #tpu.memory_space<semaphore_mem>>) src(%dma_wait3A_545 : memref<32x1024xf32, #tpu.memory_space<vmem>>) dst(%dma_wait3A_541 : memref<32x1024xf32, #tpu.memory_space<hbm>>)
    %add3A_546 = arith.constant 96 : i32
    %add3A_547 = arith.addi %add3A_4, %add3A_546 : i32
    %dma_wait3A_548 = arith.constant 1 : i32
    %dma_wait3A_549 = arith.constant 1 : i32
    %dma_wait3A_550 = tpu.memref_slice %arg9[%dma_wait3A_549] : memref<2x!tpu.dma_semaphore, #tpu.memory_space<semaphore_mem>> -> memref<1x!tpu.dma_semaphore, #tpu.memory_space<semaphore_mem>>
    %dma_wait3A_551 = tpu.memref_squeeze %dma_wait3A_550 : memref<1x!tpu.dma_semaphore, #tpu.memory_space<semaphore_mem>> -> memref<!tpu.dma_semaphore, #tpu.memory_space<semaphore_mem>>
    %dma_wait3A_552 = arith.constant 0 : i32
    %dma_wait3A_553 = tpu.memref_slice %arg3[%add3A_547, %dma_wait3A_552] : memref<8192x1024xf32, #tpu.memory_space<hbm>> -> memref<32x1024xf32, #tpu.memory_space<hbm>>
    %dma_wait3A_554 = arith.constant 0 : i32
    %dma_wait3A_555 = arith.constant 0 : i32
    %dma_wait3A_556 = arith.constant 0 : i32
    %dma_wait3A_557 = tpu.memref_slice %arg5[%arg1, %dma_wait3A_554, %dma_wait3A_555, %dma_wait3A_556] : memref<16x2x32x1024xf32, #tpu.memory_space<vmem_shared>> -> memref<1x2x32x1024xf32, #tpu.memory_space<vmem_shared>>
    %dma_wait3A_558 = tpu.memref_squeeze %dma_wait3A_557 : memref<1x2x32x1024xf32, #tpu.memory_space<vmem_shared>> -> memref<2x32x1024xf32, #tpu.memory_space<vmem_shared>>
    %dma_wait3A_559 = arith.constant 0 : i32
    %dma_wait3A_560 = arith.constant 0 : i32
    %dma_wait3A_561 = tpu.memref_slice %dma_wait3A_558[%dma_wait3A_548, %dma_wait3A_559, %dma_wait3A_560] : memref<2x32x1024xf32, #tpu.memory_space<vmem_shared>> -> memref<1x32x1024xf32, #tpu.memory_space<vmem_shared>>
    %dma_wait3A_562 = tpu.memref_squeeze %dma_wait3A_561 : memref<1x32x1024xf32, #tpu.memory_space<vmem_shared>> -> memref<32x1024xf32, #tpu.memory_space<vmem_shared>>
    tpu.wait_dma2 semaphore(%dma_wait3A_551 : memref<!tpu.dma_semaphore, #tpu.memory_space<semaphore_mem>>) src(%dma_wait3A_562 : memref<32x1024xf32, #tpu.memory_space<vmem_shared>>) dst(%dma_wait3A_553 : memref<32x1024xf32, #tpu.memory_space<hbm>>)
    return
  }
}

</mosaic_0001>

<sc_bundles>
// kernel: kernel.3.cloned.1.call-start
scs
__scs_entry_jumppad:
0x0: {  	(pc) =	sbr.rel $0x88, $3  }
0x1: {  	(tag) =	ssettag $0x0;
	lr =	simm.s32 $0x1  }
0x2: {  	[smem:$0x3FA0] =	sst lr;
	_ =	strace $0xD0000000  }
0x3: {  	_ = 	snop  }
0x4: {  	_ = 	snop  }
0x5: {  	_ = 	snop  }
0x6: {  	_ = 	snop  }
0x7: {  	_ = 	snop  }
__scs_overlays_trampoline_lowered:
0x8: {  	[smem:$0x3FAF] =	sst s0  }
0x9: {  	[smem:$0x3FB0] =	sst s1  }
0xa: {  	[smem:$0x3FB1] =	sst s2  }
0xb: {  	[smem:$0x3FB2] =	sst s3  }
0xc: {  	[smem:$0x3FB3] =	sst s4  }
0xd: {  	[smem:$0x3FB4] =	sst s5  }
0xe: {  	[smem:$0x3FB5] =	sst s6  }
0xf: {  	[smem:$0x3FB6] =	sst s7  }
0x10: {  	[smem:$0x3FB7] =	sst s8  }
0x11: {  	[smem:$0x3FB8] =	sst s9;
	s0 =	simm.s32 @!p0 $0x0  }
0x12: {  	s1 =	sld [smem:$0x3F9E];
	s0 =	simm.s32 @p0 $0x1  }
0x13: {  	[smem:$0x3FB9] =	sst s0;
	s0 =	simm.s32 @!p1 $0x0  }
0x14: {  	s2 =	sld [smem:$0x3F9D];
	s0 =	simm.s32 @p1 $0x1  }
0x15: {  	[smem:$0x3FBA] =	sst s0;
	s0 =	simm.s32 @!p2 $0x0  }
0x16: {  	s3 =	sld [smem:$0x3FDB];
	s0 =	simm.s32 @p2 $0x1  }
0x17: {  	s4 =	simm.s32 $0x1BF5;
	[smem:$0x3FBC] =	sst s0  }
0x18: {  	s0 =	sld [smem:$0x3F9F];
	_ =	swait.ge [sflag:s4], $0x0  }
0x19: {  	s7 =	sld [smem:$0x3FA0]  }
0x1a: {  	s8 =	sadd.s32 $0xFFFFE003, lr  }
0x1b: {  	s9 =	sadd.s32 $0xFFFFFEF7, lr;
	s5 =	simm.s32 $0xFFFFFFFF;
	p2 =	slt.u32 s8, $0xFFFFF086  }
0x1c: {  	p1 =	slt.u32 s9, $0xF7A;
	s5 =	simm.s32 @!p2 $0x0  }
0x1d: {  	s5 =	simm.s32 @p1 $0x1;
	p0 =	seq.s32 s7, s2  }
0x1e: {  	s7 =	smul.u32 @!p0 $0xF7A, s2;
	p2 =	seq.s32 @!p0 s5, $0x0  }
0x1f: {  	s9 =	smul.u32 $0xF7A, s1;
	s8 =	simm.s32 @!p0 $0x1BF5;
	p2 =	por !p2, p0  }
0x20: {  	[sflag:s8] =	ssyncset.s32 @!p0 $0xFFFFF086;
	s6 =	sadd.s32 @!p0 s3, s7;
	s7 =	simm.s32 @!p0 $0x108  }
0x21: {  	s3 =	sadd.s32 s3, s9;
	s6 =	sadd.s32 @!p0 $0x88, s6;
	s7 =	simm.s32 @p2 $0x1082  }
0x22: {  	[simem:s7], [sflag:s8] =	dma.local @!p0 [hbm:s6], $0xF7A  }
0x23: {  	s9 =	sor.u32 $0xD0000000, s2;
	s6 =	simm.s32 $0x108;
	_ =	swait.ge @!p0 [sflag:s8], $0x0  }
0x24: {  	s3 =	sadd.s32 $0x88, s3;
	s6 =	simm.s32 @!p1 $0x1082;
	[sflag:s4] =	ssyncset.s32 $0xFFFFF086  }
0x25: {  	[simem:s6], [sflag:s4] =	dma.local [hbm:s3], $0xF7A  }
0x26: {  	[smem:$0x3FA0] =	sst s1;
	(tag) =	ssettag s2;
	_ =	strace s9  }
0x27: {  	s1 =	sld [smem:$0x3FB0]  }
0x28: {  	s2 =	sld [smem:$0x3FB1]  }
0x29: {  	s4 =	sld [smem:$0x3FB3]  }
0x2a: {  	p0 =	seq.s32 s5, $0x0;
	s5 =	sld [smem:$0x3FB4]  }
0x2b: {  	s6 =	sld [smem:$0x3FB5]  }
0x2c: {  	s7 =	sld [smem:$0x3FB6]  }
0x2d: {  	s3 =	simm.s32 $0x108;
	s8 =	sld [smem:$0x3FB7]  }
0x2e: {  	s3 =	simm.s32 @!p0 $0x1082;
	s9 =	sld [smem:$0x3FB8]  }
0x2f: {  	lr =	sadd.s32 s0, s3;
	s0 =	sld [smem:$0x3FAF]  }
0x30: {  	s3 =	sld [smem:$0x3FB2]  }
0x31: {  	[smem:$0x3FBB] =	sst s10  }
0x32: {  	s10 =	sld [smem:$0x3FB9];
	_ =	sdelay $0x3  }
0x33: {  	p0 =	seq.s32 s10, $0x1;
	s10 =	sld [smem:$0x3FBB];
	_ =	sdelay $0x3  }
0x34: {  	[smem:$0x3FBB] =	sst s10  }
0x35: {  	s10 =	sld [smem:$0x3FBA];
	_ =	sdelay $0x3  }
0x36: {  	p1 =	seq.s32 s10, $0x1;
	s10 =	sld [smem:$0x3FBB];
	_ =	sdelay $0x3  }
0x37: {  	[smem:$0x3FBB] =	sst s10  }
0x38: {  	s10 =	sld [smem:$0x3FBC]  }
0x39: {  	_ = 	snop;
	(pc) =	sbr.ind lr, $3  }
0x3a: {  	_ = 	snop  }
0x3b: {  	_ = 	snop  }
0x3c: {  	p2 =	seq.s32 s10, $0x1;
	s10 =	sld [smem:$0x3FBB]  }
0x3d: {  	_ =	shalt  }
0x3e: {  	_ =	shalt  }
0x3f: {  	_ =	shalt  }
0x40: {  	_ =	shalt  }
0x41: {  	_ =	shalt  }
0x42: {  	_ =	shalt  }
0x43: {  	_ =	shalt  }
0x44: {  	_ =	shalt  }
0x45: {  	_ =	shalt  }
0x46: {  	_ =	shalt  }
0x47: {  	_ =	shalt  }
0x48: {  	_ =	shalt  }
0x49: {  	_ =	shalt  }
0x4a: {  	_ =	shalt  }
0x4b: {  	_ =	shalt  }
0x4c: {  	_ =	shalt  }
0x4d: {  	_ =	shalt  }
0x4e: {  	_ =	shalt  }
0x4f: {  	_ =	shalt  }
0x50: {  	_ =	shalt  }
0x51: {  	_ =	shalt  }
0x52: {  	_ =	shalt  }
0x53: {  	_ =	shalt  }
0x54: {  	_ =	shalt  }
0x55: {  	_ =	shalt  }
0x56: {  	_ =	shalt  }
0x57: {  	_ =	shalt  }
0x58: {  	_ =	shalt  }
0x59: {  	_ =	shalt  }
0x5a: {  	_ =	shalt  }
0x5b: {  	_ =	shalt  }
0x5c: {  	_ =	shalt  }
0x5d: {  	_ =	shalt  }
0x5e: {  	_ =	shalt  }
0x5f: {  	_ =	shalt  }
0x60: {  	_ =	shalt  }
0x61: {  	_ =	shalt  }
0x62: {  	_ =	shalt  }
0x63: {  	_ =	shalt  }
0x64: {  	_ =	shalt  }
0x65: {  	_ =	shalt  }
0x66: {  	_ =	shalt  }
0x67: {  	_ =	shalt  }
0x68: {  	_ =	shalt  }
0x69: {  	_ =	shalt  }
0x6a: {  	_ =	shalt  }
0x6b: {  	_ =	shalt  }
0x6c: {  	_ =	shalt  }
0x6d: {  	_ =	shalt  }
0x6e: {  	_ =	shalt  }
0x6f: {  	_ =	shalt  }
0x70: {  	_ =	shalt  }
0x71: {  	_ =	shalt  }
0x72: {  	_ =	shalt  }
0x73: {  	_ =	shalt  }
0x74: {  	_ =	shalt  }
0x75: {  	_ =	shalt  }
0x76: {  	_ =	shalt  }
0x77: {  	_ =	shalt  }
0x78: {  	_ =	shalt  }
0x79: {  	_ =	shalt  }
0x7a: {  	_ =	shalt  }
0x7b: {  	_ =	shalt  }
0x7c: {  	_ =	shalt  }
0x7d: {  	_ =	shalt  }
0x7e: {  	_ =	shalt  }
0x7f: {  	_ =	shalt  }
0x80: {  	_ =	shalt  }
0x81: {  	_ =	shalt  }
0x82: {  	_ =	shalt  }
0x83: {  	_ =	shalt  }
0x84: {  	_ =	shalt  }
0x85: {  	_ =	shalt  }
0x86: {  	_ =	shalt  }
0x87: {  	_ =	shalt  }
.Lfunc_end0:
.L_simem_size_0:
called_computation_lowered:
.L_overlay_start_0:
0x88: {  	s2 =	sld [smem:$0x3FD9]  }
0x89: {  	s3 =	sld [smem:$0x3FFE];
	_ =	sdelay $0x1  }
0x8a: {  	s1 =	srdreg.scid  }
0x8b: {  	s0 =	sand.u32 $0x1, s1  }
0x8c: {  	s18 =	sshll.u32 s0, $0xA;
	s2 =	sadd.s32 s3, s2  }
0x8d: {  	s2 =	sadd.s32 s2, s18  }
0x8e: {  	[smem:$0x3FC7] =	sst s2  }
0x8f: {  	_ = 	snop  }
0x90: {  	s2 =	sld [smem:$0x3FC9]  }
0x91: {  	s19 =	sld [smem:$0x3FD0];
	(tm) =	ssettm $0x1  }
0x92: {  	s4 =	sld [smem:$0x3FFB];
	_ =	sdelay $0x3  }
0x93: {  	_ =	strace s4  }
0x94: {  	s4 =	sld [smem:$0x3FFC];
	_ =	sdelay $0x3  }
0x95: {  	_ =	strace s4  }
0x96: {  	s4 =	sld [smem:$0x3FFD];
	_ =	sdelay $0x3  }
0x97: {  	_ =	strace s4  }
0x98: {  	_ =	strace $0x8FFFFFFF  }
0x99: {  	s20 =	sld [smem:$0x3FDB];
	_ =	sdelay $0x1  }
0x9a: {  	s5 =	simm.s32 $_scs_section_size  }
0x9b: {  	s6 =	simm.s32 $_size__tile_overlayer_lowered;
	s7 =	simm.s32 $_tile_overlayer_lowered  }
0x9c: {  	s23 =	simm.s32 $0x1BFF;
	s22 =	sshll.u32 s7, $0x1;
	s4 =	sadd.s32 s5, s20  }
0x9d: {  	s8 =	simm.s32 $0x0;
	s21 =	sshll.u32 s6, $0x1;
	s6 =	sadd.s32 s22, s4  }
0x9e: {  	[timem:s8], [sflag:s23] =	dma.local [hbm:s6], s21  }
0x9f: {  	_ =	swait.ge [sflag:s23], s21  }
0xa0: {  	s5 =	ssub.s32 $0x0, s21;
	[sflag:s23] =	ssyncset.done $0x0  }
0xa1: {  	[sflag:s23] =	ssyncadd.s32 s5;
	_ =	sdelay $0x1  }
0xa2: {  	s24 =	simm.s32 $0x1B8B  }
0xa3: {  	_ =	swait.ge [sflag:s24], $0x1  }
0xa4: {  	[sflag:s24] =	ssyncset.done $0x0  }
0xa5: {  	s25 =	simm.s32 $0x1B8E;
	[sflag:s24] =	ssyncadd.s32 $0xFFFFFFFF  }
0xa6: {  	s26 =	simm.s32 $execute0_lowered;
	[smem:$0x3FD2] =	sst s25  }
0xa7: {  	s5 =	sshll.u32 s26, $0x1;
	_ =	strace $0x80000046;
	[dreg:$0x1] =	wrdreg $0xFFFFFFFF  }
0xa8: {  	s28 =	simm.s32 $_size_execute0_lowered;
	s4 =	sadd.s32 s4, s5;
	[dreg:$0x0] =	wrdreg $0x0  }
0xa9: {  	s5 =	sshll.u32 s28, $0x1;
	[dreg:$0x2] =	wrdreg s4  }
0xaa: {  	[dreg:$0x3] =	wrdreg s5  }
0xab: {  	[dreg:$0x4] =	wrdreg $0xC0  }
0xac: {  	_ =	task [dreg:s8], $0x5FFFF  }
0xad: {  	[dreg:$0x1] =	wrdreg $0xFFFFFFFF  }
0xae: {  	[dreg:$0x0] =	wrdreg $0x60  }
0xaf: {  	[dreg:$0x2] =	wrdreg s2  }
0xb0: {  	[dreg:$0x3] =	wrdreg s19  }
0xb1: {  	[dreg:$0x4] =	wrdreg $0x100000  }
0xb2: {  	[dreg:$0x5] =	wrdreg $0x9  }
0xb3: {  	_ =	task.clear_ibuf [dreg:s8], $0x6FFFF;
	_ =	strace $0x90000046  }
0xb4: {  	s29 =	simm.s32 $0x9;
	_ =	strace $0x80000048  }
0xb5: {  	_ =	swait.ge [sflag:s29], $0x1  }
0xb6: {  	[sflag:s29] =	ssyncadd.s32 $0xFFFFFFFF  }
0xb7: {  	_ =	strace $0x90000048  }
0xb8: {  	_ =	sfence  }
0xb9: {  	s30 =	sld [smem:$0x0];
	_ =	sdelay $0x2  }
0xba: {  	s31 =	sshll.u32 s1, $0xD;
	s1 =	sshrl.u32 s1, $0x2  }
0xbb: {  	s3 =	sand.u32 $0x4000, s31;
	s1 =	sadd.s32 s1, s30  }
0xbc: {  	s0 =	sor.u32 s3, s0;
	s1 =	sshll.u32 s1, $0x11  }
0xbd: {  	s0 =	sor.u32 s1, s0  }
0xbe: {  	s0 =	sadd.s32 $0x8F2B, s0  }
0xbf: {  	[sflag:s0] =	ssyncadd.remote.s32 $0x1  }
0xc0: {  	_ =	sfence.sel $0xFFFF  }
0xc1: {  	[dreg:$0x0] =	wrdreg $0xFFFFFFFF;
	(pc) =	sbr.abs _section_cstart, $3  }
0xc2: {  	[dreg:$0x1] =	wrdreg $0xFFFFFFFF  }
0xc3: {  	_ =	task.clear_ibuf [dreg:s8], $0x2FFFF;
	_ =	strace $0x9FFFFFFF  }
0xc4: {  	(tm) =	ssettm $0x7FFFFFFF  }
0xc5: {  	_ =	shalt  }
tec
execute0_lowered:
.L_overlay_start_1:
0x0: {  	(tag) =	ssettag $0x1  }
0x1: {  	s24 =	rddreg [dreg:$0x0];
	s2 =	srdreg.scid  }
0x2: {  	s29 =	rddreg [dreg:$0x1];
	s1 =	stileid.u32;
	s30 =	sand.u32 $0x1, s2  }
0x3: {  	s2 =	simm.s32 $0x0;
	s5 =	sshll.u32 s1, $0xF;
	s4 =	sshll.u32 s30, $0x13  }
0x4: {  	[smem:$0x7FF] =	sst s2;
	s25 =	sor.u32 s5, s4  }
0x5: {  	s3 =	rddreg [dreg:$0x2];
	_ =	strace $0x80000047;
	s4 =	sadd.s32 s24, s25  }
0x6: {  	s10 =	sor.u32 $0x4000, s25;
	s22 =	sadd.s32 s29, s25;
	[dreg:$0x4] =	wrdreg s4  }
0x7: {  	s17 =	sor.u32 $0x1000, s25;
	s16 =	sadd.s32 s24, s10;
	[dreg:$0x8] =	wrdreg s22  }
0x8: {  	s19 =	sor.u32 $0x5000, s25;
	s18 =	sadd.s32 s24, s17;
	[dreg:$0x5] =	wrdreg s16  }
0x9: {  	s21 =	sshll.u32 s1, $0x10;
	s20 =	sadd.s32 s24, s19;
	[dreg:$0x6] =	wrdreg s18  }
0xa: {  	s5 =	sadd.s32 s21, s3;
	[dreg:$0x7] =	wrdreg s20  }
0xb: {  	s23 =	sadd.s32 $0x8000, s5;
	s6 =	rddreg [dreg:$0x4];
	s20 =	sshll.u32 s1, $0x6  }
0xc: {  	s4 =	sshrl.u32 s5, $0x3;
	s7 =	rddreg [dreg:$0x5];
	s3 =	sor.u32 $0x1C05, s20  }
0xd: {  	[tilespmem:s2], [sflag:$0x1] =	stream.linear.gather [hbm4b:s6+s2], $0x8000, $0x38;
	v63 =	vld [tilespmem:$0x0]  }
0xe: {  	[spmem:s4], [sflag:s3] =	dma.local [hbm:s7], $0x1000  }
0xf: {  	s5 =	simm.s32 $0x8000;
	s6 =	sshrl.u32 s23, $0x3;
	s9 =	rddreg [dreg:$0x6]  }
0x10: {  	s8 =	sor.u32 $0x1C06, s20;
	s7 =	simm.s32 $0x1;
	s11 =	rddreg [dreg:$0x7]  }
0x11: {  	[tilespmem:s5], [sflag:$0x2] =	stream.linear.gather [hbm4b:s9+s2], $0x8000, $0x38;
	v63 =	vld [tilespmem:$0x0]  }
0x12: {  	[spmem:s6], [sflag:s8] =	dma.local [hbm:s11], $0x1000  }
0x13: {  	_ =	swait.ge [sflag:s7], $0x8000  }
0x14: {  	[sflag:s7] =	ssyncset.done $0x0  }
0x15: {  	s9 =	simm.s32 $0x5;
	s26 =	rddreg [dreg:$0x8];
	[sflag:s7] =	ssyncadd.s32 $0xFFFF8000  }
0x16: {  	[hbm4b:s26+s2] =	stream.linear.scatter [tilespmem:s2], [sflag:$0x3], $0x8000, $0x38;
	v63 =	vld [tilespmem:$0x0]  }
0x17: {  	_ =	swait.ge [sflag:s9], $0x1000  }
0x18: {  	s10 =	sadd.s32 s29, s10;
	[sflag:s9] =	ssyncset.done $0x0  }
0x19: {  	s12 =	sor.u32 $0x1C07, s20;
	s11 =	simm.s32 $0x3;
	[sflag:s9] =	ssyncadd.s32 $0xFFFFF000  }
0x1a: {  	[hbm:s10], [sflag:s12] =	dma.local [spmem:s4], $0x1000  }
0x1b: {  	_ =	swait.ge [sflag:s11], $0x8000  }
0x1c: {  	s26 =	sor.u32 $0x2000, s25;
	[sflag:s11] =	ssyncset.done $0x0  }
0x1d: {  	s14 =	simm.s32 $0x7;
	s13 =	sadd.s32 s24, s26;
	[sflag:s11] =	ssyncadd.s32 $0xFFFF8000  }
0x1e: {  	[tilespmem:s2], [sflag:$0x1] =	stream.linear.gather [hbm4b:s13+s2], $0x8000, $0x38;
	v63 =	vld [tilespmem:$0x0]  }
0x1f: {  	_ =	swait.ge [sflag:s14], $0x1000  }
0x20: {  	s28 =	sor.u32 $0x6000, s25;
	[sflag:s14] =	ssyncset.done $0x0  }
0x21: {  	s15 =	sadd.s32 s24, s28;
	s16 =	simm.s32 $0x2;
	[sflag:s14] =	ssyncadd.s32 $0xFFFFF000  }
0x22: {  	[spmem:s4], [sflag:s3] =	dma.local [hbm:s15], $0x1000  }
0x23: {  	_ =	swait.ge [sflag:s16], $0x8000  }
0x24: {  	[sflag:s16] =	ssyncset.done $0x0  }
0x25: {  	s17 =	sadd.s32 s29, s17;
	s18 =	simm.s32 $0x6;
	[sflag:s16] =	ssyncadd.s32 $0xFFFF8000  }
0x26: {  	[hbm4b:s17+s2] =	stream.linear.scatter [tilespmem:s5], [sflag:$0x4], $0x8000, $0x38;
	v63 =	vld [tilespmem:$0x0]  }
0x27: {  	_ =	swait.ge [sflag:s18], $0x1000  }
0x28: {  	s21 =	simm.s32 $0x4;
	[sflag:s18] =	ssyncset.done $0x0  }
0x29: {  	s19 =	sadd.s32 s29, s19;
	s20 =	sor.u32 $0x1C08, s20;
	[sflag:s18] =	ssyncadd.s32 $0xFFFFF000  }
0x2a: {  	[hbm:s19], [sflag:s20] =	dma.local [spmem:s6], $0x1000  }
0x2b: {  	_ =	swait.ge [sflag:s21], $0x8000  }
0x2c: {  	s31 =	sor.u32 $0x3000, s25;
	[sflag:s21] =	ssyncset.done $0x0  }
0x2d: {  	s22 =	simm.s32 $0x8;
	s23 =	sadd.s32 s24, s31;
	[sflag:s21] =	ssyncadd.s32 $0xFFFF8000  }
0x2e: {  	[tilespmem:s5], [sflag:$0x2] =	stream.linear.gather [hbm4b:s23+s2], $0x8000, $0x38;
	v63 =	vld [tilespmem:$0x0]  }
0x2f: {  	_ =	swait.ge [sflag:s22], $0x1000  }
0x30: {  	s0 =	sor.u32 $0x7000, s25;
	[sflag:s22] =	ssyncset.done $0x0  }
0x31: {  	s24 =	sadd.s32 s24, s0;
	[sflag:s22] =	ssyncadd.s32 $0xFFFFF000  }
0x32: {  	[spmem:s6], [sflag:s8] =	dma.local [hbm:s24], $0x1000  }
0x33: {  	_ =	swait.ge [sflag:s7], $0x8000  }
0x34: {  	[sflag:s7] =	ssyncset.done $0x0  }
0x35: {  	s25 =	sadd.s32 s29, s26;
	[sflag:s7] =	ssyncadd.s32 $0xFFFF8000  }
0x36: {  	[hbm4b:s25+s2] =	stream.linear.scatter [tilespmem:s2], [sflag:$0x3], $0x8000, $0x38;
	v63 =	vld [tilespmem:$0x0]  }
0x37: {  	_ =	swait.ge [sflag:s9], $0x1000  }
0x38: {  	[sflag:s9] =	ssyncset.done $0x0  }
0x39: {  	s26 =	sadd.s32 s29, s28;
	[sflag:s9] =	ssyncadd.s32 $0xFFFFF000  }
0x3a: {  	[hbm:s26], [sflag:s12] =	dma.local [spmem:s4], $0x1000  }
0x3b: {  	_ =	swait.ge [sflag:s16], $0x8000  }
0x3c: {  	[sflag:s16] =	ssyncset.done $0x0  }
0x3d: {  	s28 =	sadd.s32 s29, s31;
	[sflag:s16] =	ssyncadd.s32 $0xFFFF8000  }
0x3e: {  	[hbm4b:s28+s2] =	stream.linear.scatter [tilespmem:s5], [sflag:$0x4], $0x8000, $0x38;
	v63 =	vld [tilespmem:$0x0]  }
0x3f: {  	_ =	swait.ge [sflag:s18], $0x1000  }
0x40: {  	[sflag:s18] =	ssyncset.done $0x0  }
0x41: {  	s29 =	sadd.s32 s29, s0;
	[sflag:s18] =	ssyncadd.s32 $0xFFFFF000  }
0x42: {  	[hbm:s29], [sflag:s20] =	dma.local [spmem:s6], $0x1000  }
0x43: {  	s31 =	ssub.s32 $0x2, s30;
	_ =	swait.ge [sflag:s11], $0x8000  }
0x44: {  	s30 =	sshrl.u32 s31, $0x1;
	[sflag:s11] =	ssyncset.done $0x0  }
0x45: {  	s0 =	ssub.s32 s31, s30;
	[sflag:s11] =	ssyncadd.s32 $0xFFFF8000  }
0x46: {  	s0 =	smax.u32 s0, $0x1;
	_ =	swait.ge [sflag:s14], $0x1000  }
0x47: {  	p0 =	sne.s32 s0, $0x1;
	[sflag:s14] =	ssyncset.done $0x0  }
.Ltmp0:
0x48: {  	[sflag:s14] =	ssyncadd.s32 $0xFFFFF000;
	(pc) =	sbr.rel @!p0 .LBB2_2-.Ltmp0, $4  }
0x49: {  	_ =	swait.ge [sflag:s21], $0x8000  }
0x4a: {  	[sflag:s21] =	ssyncset.done $0x0  }
0x4b: {  	[sflag:s21] =	ssyncadd.s32 $0xFFFF8000  }
0x4c: {  	s30 =	sadd.s32 $0xFFFFFFFF, s0;
	_ =	swait.ge [sflag:s22], $0x1000  }
.LBB2_1:
0x4d: {  	s0 =	rddreg [dreg:$0x4];
	[sflag:s22] =	ssyncset.done $0x0  }
0x4e: {  	s31 =	rddreg [dreg:$0x5];
	[sflag:s22] =	ssyncadd.s32 $0xFFFFF000  }
0x4f: {  	[tilespmem:s2], [sflag:$0x1] =	stream.linear.gather [hbm4b:s0+s2], $0x8000, $0x38;
	v63 =	vld [tilespmem:$0x0]  }
0x50: {  	[spmem:s4], [sflag:s3] =	dma.local [hbm:s31], $0x1000  }
0x51: {  	s0 =	rddreg [dreg:$0x6]  }
0x52: {  	s31 =	rddreg [dreg:$0x7]  }
0x53: {  	[tilespmem:s5], [sflag:$0x2] =	stream.linear.gather [hbm4b:s0+s2], $0x8000, $0x38;
	v63 =	vld [tilespmem:$0x0]  }
0x54: {  	[spmem:s6], [sflag:s8] =	dma.local [hbm:s31], $0x1000  }
0x55: {  	_ =	swait.ge [sflag:s7], $0x8000  }
0x56: {  	[sflag:s7] =	ssyncset.done $0x0  }
0x57: {  	s31 =	rddreg [dreg:$0x8];
	[sflag:s7] =	ssyncadd.s32 $0xFFFF8000  }
0x58: {  	[hbm4b:s31+s2] =	stream.linear.scatter [tilespmem:s2], [sflag:$0x3], $0x8000, $0x38;
	v63 =	vld [tilespmem:$0x0]  }
0x59: {  	_ =	swait.ge [sflag:s9], $0x1000  }
0x5a: {  	[sflag:s9] =	ssyncset.done $0x0  }
0x5b: {  	[sflag:s9] =	ssyncadd.s32 $0xFFFFF000  }
0x5c: {  	[hbm:s10], [sflag:s12] =	dma.local [spmem:s4], $0x1000  }
0x5d: {  	_ =	swait.ge [sflag:s11], $0x8000  }
0x5e: {  	[sflag:s11] =	ssyncset.done $0x0  }
0x5f: {  	[sflag:s11] =	ssyncadd.s32 $0xFFFF8000  }
0x60: {  	[tilespmem:s2], [sflag:$0x1] =	stream.linear.gather [hbm4b:s13+s2], $0x8000, $0x38;
	v63 =	vld [tilespmem:$0x0]  }
0x61: {  	_ =	swait.ge [sflag:s14], $0x1000  }
0x62: {  	[sflag:s14] =	ssyncset.done $0x0  }
0x63: {  	[sflag:s14] =	ssyncadd.s32 $0xFFFFF000  }
0x64: {  	[spmem:s4], [sflag:s3] =	dma.local [hbm:s15], $0x1000  }
0x65: {  	_ =	swait.ge [sflag:s16], $0x8000  }
0x66: {  	[sflag:s16] =	ssyncset.done $0x0  }
0x67: {  	[sflag:s16] =	ssyncadd.s32 $0xFFFF8000  }
0x68: {  	[hbm4b:s17+s2] =	stream.linear.scatter [tilespmem:s5], [sflag:$0x4], $0x8000, $0x38;
	v63 =	vld [tilespmem:$0x0]  }
0x69: {  	_ =	swait.ge [sflag:s18], $0x1000  }
0x6a: {  	[sflag:s18] =	ssyncset.done $0x0  }
0x6b: {  	[sflag:s18] =	ssyncadd.s32 $0xFFFFF000  }
0x6c: {  	[hbm:s19], [sflag:s20] =	dma.local [spmem:s6], $0x1000  }
0x6d: {  	_ =	swait.ge [sflag:s21], $0x8000  }
0x6e: {  	[sflag:s21] =	ssyncset.done $0x0  }
0x6f: {  	[sflag:s21] =	ssyncadd.s32 $0xFFFF8000  }
0x70: {  	[tilespmem:s5], [sflag:$0x2] =	stream.linear.gather [hbm4b:s23+s2], $0x8000, $0x38;
	v63 =	vld [tilespmem:$0x0]  }
0x71: {  	_ =	swait.ge [sflag:s22], $0x1000  }
0x72: {  	[sflag:s22] =	ssyncset.done $0x0  }
0x73: {  	[sflag:s22] =	ssyncadd.s32 $0xFFFFF000  }
0x74: {  	[spmem:s6], [sflag:s8] =	dma.local [hbm:s24], $0x1000  }
0x75: {  	_ =	swait.ge [sflag:s7], $0x8000  }
0x76: {  	[sflag:s7] =	ssyncset.done $0x0  }
0x77: {  	[sflag:s7] =	ssyncadd.s32 $0xFFFF8000  }
0x78: {  	[hbm4b:s25+s2] =	stream.linear.scatter [tilespmem:s2], [sflag:$0x3], $0x8000, $0x38;
	v63 =	vld [tilespmem:$0x0]  }
0x79: {  	_ =	swait.ge [sflag:s9], $0x1000  }
0x7a: {  	[sflag:s9] =	ssyncset.done $0x0  }
0x7b: {  	[sflag:s9] =	ssyncadd.s32 $0xFFFFF000  }
0x7c: {  	[hbm:s26], [sflag:s12] =	dma.local [spmem:s4], $0x1000  }
0x7d: {  	_ =	swait.ge [sflag:s16], $0x8000  }
0x7e: {  	[sflag:s16] =	ssyncset.done $0x0  }
0x7f: {  	[sflag:s16] =	ssyncadd.s32 $0xFFFF8000  }
0x80: {  	[hbm4b:s28+s2] =	stream.linear.scatter [tilespmem:s5], [sflag:$0x4], $0x8000, $0x38;
	v63 =	vld [tilespmem:$0x0]  }
0x81: {  	_ =	swait.ge [sflag:s18], $0x1000  }
0x82: {  	[sflag:s18] =	ssyncset.done $0x0  }
0x83: {  	[sflag:s18] =	ssyncadd.s32 $0xFFFFF000  }
0x84: {  	[hbm:s29], [sflag:s20] =	dma.local [spmem:s6], $0x1000  }
0x85: {  	_ =	swait.ge [sflag:s11], $0x8000  }
0x86: {  	[sflag:s11] =	ssyncset.done $0x0  }
0x87: {  	[sflag:s11] =	ssyncadd.s32 $0xFFFF8000  }
0x88: {  	_ =	swait.ge [sflag:s14], $0x1000  }
0x89: {  	p0 =	sne.s32 s30, $0x1;
	[sflag:s14] =	ssyncset.done $0x0  }
.Ltmp1:
0x8a: {  	[sflag:s14] =	ssyncadd.s32 $0xFFFFF000;
	(pc) =	sbr.rel @p0 .LBB2_1-.Ltmp1, $4  }
0x8b: {  	_ =	swait.ge [sflag:s21], $0x8000  }
0x8c: {  	[sflag:s21] =	ssyncset.done $0x0  }
0x8d: {  	[sflag:s21] =	ssyncadd.s32 $0xFFFF8000  }
0x8e: {  	s30 =	sadd.s32 $0xFFFFFFFF, s30;
	_ =	swait.ge [sflag:s22], $0x1000  }
.LBB2_2:
0x8f: {  	[sflag:s22] =	ssyncset.done $0x0  }
0x90: {  	[sflag:s22] =	ssyncadd.s32 $0xFFFFF000  }
0x91: {  	_ =	sfence.sel $0x180000  }
0x92: {  	[bflag:$0x0] =	sbarrier.arrive $0xFFFF  }
0x93: {  	_ =	strace $0x90000047  }
0x94: {  	[bflag:$0x2] =	sbarrier.arrive $0xFFFF  }
0x95: {  	p0 =	sne.s32 s1, $0x0;
	s0 =	rddreg [dreg:$0x3]  }
0x96: {  	s0 =	sadd.s32 @!p0 $0x100000, s0  }
0x97: {  	[sflag:s0] =	ssyncadd.tile.s32 @!p0 $0x1;
	_ =	shalt  }
.Lfunc_end2:
_tile_overlayer_lowered:
.L_overlay_start_2:
0x98: {  	(tag) =	ssettag $0x2  }
0x99: {  	s0 =	rddreg [dreg:$0x0];
	s2 =	stileid.u32  }
0x9a: {  	s1 =	rddreg [dreg:$0x1];
	p0 =	sne.s32 s2, $0x0  }
0x9b: {  	s3 =	rddreg [dreg:$0x2];
	[bflag:$0x3] =	sbarrier.arrive $0xFFFF;
	s2 =	simm.s32 @!p0 $0x1C09  }
0x9c: {  	[timem:s3], [sflag:s2] =	dma.local @!p0 [hbm:s0], s1  }
0x9d: {  	s0 =	simm.s32 @!p0 $0x9  }
0x9e: {  	_ =	swait.ge @!p0 [sflag:s0], s1  }
0x9f: {  	s1 =	ssub.s32 @!p0 $0x0, s1;
	[sflag:s0] =	ssyncset.done @!p0 $0x0  }
0xa0: {  	[sflag:s0] =	ssyncadd.s32 @!p0 s1  }
0xa1: {  	[bflag:$0x3] =	sbarrier.arrive $0xFFFF  }
0xa2: {  	_ =	shalt  }

</sc_bundles>
